<compile_context>
chip_gen: v7x
topology: tpu7x:2x2x1
jax: 0.10.2.dev20260603
libtpu: 0.0.44.dev20260713+nightly
codegen_flags: <defaults>
</compile_context>

<pallas_src>
import functools

import jax
import jax.numpy as jnp
from jax import lax
from jax.experimental import pallas as pl
from jax.experimental.pallas import tpu as pltpu
from jax.experimental.pallas import tpu_sc as plsc

N_NODES = 10000
N_EDGES = 320000
D_FEAT = 128
HIDDEN1 = 64
OUT_DIM = 16

NC = 2
NS = 16
NW = NC * NS
CHUNK = 40
NBUF = 6
K = 2


def _sc_aggregate(d):
    ept = N_EDGES // NW
    chunks = ept // CHUNK
    rows_a = 632
    rows_b = N_NODES - 15 * rows_a

    mesh = plsc.VectorSubcoreMesh(core_axis_name="c", subcore_axis_name="s",
                                  num_cores=NC, num_subcores=NS)

    @functools.partial(
        pl.kernel,
        out_type=jax.ShapeDtypeStruct((NC, N_NODES, d), jnp.float32),
        mesh=mesh,
        scratch_types=[
            pltpu.VMEM((ept,), jnp.int32),
            pltpu.VMEM((ept,), jnp.int32),
            pltpu.VMEM((NBUF * CHUNK, d), jnp.float32),
            pltpu.VMEM_SHARED((N_NODES, d), jnp.float32),
            pltpu.SemaphoreType.DMA((NBUF,)),
            pltpu.SemaphoreType.DMA((NBUF,)),
            pltpu.SemaphoreType.DMA((3,)),
        ],
    )
    def agg(x_hbm, src_hbm, dst_hbm, zero_hbm, out_hbm,
            src_v, dst_v, rows_v, acc_sh, gsem, ssem, isem):
        c = lax.axis_index("c")
        s = lax.axis_index("s")
        w = s * NC + c
        r0 = pl.multiple_of(s * rows_a, 8)
        pltpu.async_copy(src_hbm.at[w], src_v, isem.at[0])
        pltpu.async_copy(dst_hbm.at[w], dst_v, isem.at[1])

        @pl.when(s < NS - 1)
        def _():
            pltpu.async_copy(zero_hbm.at[pl.ds(r0, rows_a)],
                             acc_sh.at[pl.ds(r0, rows_a)], isem.at[2])

        @pl.when(s == NS - 1)
        def _():
            pltpu.async_copy(zero_hbm.at[pl.ds(15 * rows_a, rows_b)],
                             acc_sh.at[pl.ds(15 * rows_a, rows_b)],
                             isem.at[2])

        pltpu.make_async_copy(src_hbm.at[w], src_v, isem.at[0]).wait()

        def buf(b):
            return rows_v.at[pl.ds(b * CHUNK, CHUNK)]

        def gather_start(i, b):
            off = pl.multiple_of(i * CHUNK, 8)
            idx = src_v.at[pl.ds(off, CHUNK)]
            pltpu.async_copy(x_hbm.at[idx], buf(b), gsem.at[b])

        def gather_wait(i, b):
            off = pl.multiple_of(i * CHUNK, 8)
            idx = src_v.at[pl.ds(off, CHUNK)]
            pltpu.make_async_copy(x_hbm.at[idx], buf(b), gsem.at[b]).wait()

        def scatter_start(i, b):
            off = pl.multiple_of(i * CHUNK, 8)
            idx = dst_v.at[pl.ds(off, CHUNK)]
            pltpu.async_copy(buf(b), acc_sh.at[idx], ssem.at[b], add=True)

        def scatter_wait(i, b):
            off = pl.multiple_of(i * CHUNK, 8)
            idx = dst_v.at[pl.ds(off, CHUNK)]
            pltpu.make_async_copy(buf(b), acc_sh.at[idx], ssem.at[b]).wait()

        for i in range(NBUF - K):
            gather_start(i, i)

        pltpu.make_async_copy(dst_hbm.at[w], dst_v, isem.at[1]).wait()

        @pl.when(s < NS - 1)
        def _():
            pltpu.make_async_copy(zero_hbm.at[pl.ds(r0, rows_a)],
                                  acc_sh.at[pl.ds(r0, rows_a)],
                                  isem.at[2]).wait()

        @pl.when(s == NS - 1)
        def _():
            pltpu.make_async_copy(zero_hbm.at[pl.ds(15 * rows_a, rows_b)],
                                  acc_sh.at[pl.ds(15 * rows_a, rows_b)],
                                  isem.at[2]).wait()

        plsc.subcore_barrier()

        def chunk_body(i, _):
            b = lax.rem(i, NBUF)
            gather_wait(i, b)
            scatter_start(i, b)
            j = i + (NBUF - K)
            bj = lax.rem(j, NBUF)

            @pl.when(j < chunks)
            def _():
                @pl.when(j >= NBUF)
                def _():
                    scatter_wait(j - NBUF, bj)

                gather_start(j, bj)

            return 0

        lax.fori_loop(0, chunks, chunk_body, 0)
        for i in range(chunks - NBUF, chunks):
            scatter_wait(i, i % NBUF)
        plsc.subcore_barrier()

        @pl.when(s < NS - 1)
        def _():
            pltpu.sync_copy(acc_sh.at[pl.ds(r0, rows_a)],
                            out_hbm.at[c, pl.ds(r0, rows_a)])

        @pl.when(s == NS - 1)
        def _():
            pltpu.sync_copy(acc_sh.at[pl.ds(15 * rows_a, rows_b)],
                            out_hbm.at[c, pl.ds(15 * rows_a, rows_b)])

    return agg


def _tc_hidden(t2, w0a, w0b):
    blk = 2000
    grid = N_NODES // blk

    def body(t_ref, w0a_ref, w0b_ref, o_ref):
        t = t_ref[0] + t_ref[1]
        h0 = jnp.maximum(jnp.dot(t, w0a_ref[...],
                                 preferred_element_type=jnp.float32), 0.0)
        h1 = jnp.maximum(jnp.dot(t, w0b_ref[...],
                                 preferred_element_type=jnp.float32), 0.0)
        o_ref[...] = jnp.concatenate([h0, h1], axis=1)

    return pl.pallas_call(
        body,
        grid=(grid,),
        in_specs=[
            pl.BlockSpec((NC, blk, D_FEAT), lambda i: (0, i, 0)),
            pl.BlockSpec((D_FEAT, HIDDEN1), lambda i: (0, 0)),
            pl.BlockSpec((D_FEAT, HIDDEN1), lambda i: (0, 0)),
        ],
        out_specs=pl.BlockSpec((blk, 2 * HIDDEN1), lambda i: (i, 0)),
        out_shape=jax.ShapeDtypeStruct((N_NODES, 2 * HIDDEN1), jnp.float32),
    )(t2, w0a, w0b)


def _tc_out(u2, w1a, w1b, wm):
    blk = 2000
    grid = N_NODES // blk

    def body(wm_ref, u_ref, w1a_ref, w1b_ref, o_ref):
        u = u_ref[0] + u_ref[1]
        o_ref[...] = (
            jnp.dot(u[:, :HIDDEN1], w1a_ref[...],
                    preferred_element_type=jnp.float32) * wm_ref[0]
            + jnp.dot(u[:, HIDDEN1:], w1b_ref[...],
                      preferred_element_type=jnp.float32) * wm_ref[1]
        )

    return pl.pallas_call(
        body,
        grid=(grid,),
        in_specs=[
            pl.BlockSpec(memory_space=pltpu.SMEM),
            pl.BlockSpec((NC, blk, 2 * HIDDEN1), lambda i: (0, i, 0)),
            pl.BlockSpec((HIDDEN1, OUT_DIM), lambda i: (0, 0)),
            pl.BlockSpec((HIDDEN1, OUT_DIM), lambda i: (0, 0)),
        ],
        out_specs=pl.BlockSpec((blk, OUT_DIM), lambda i: (i, 0)),
        out_shape=jax.ShapeDtypeStruct((N_NODES, OUT_DIM), jnp.float32),
    )(wm, u2, w1a, w1b)


def kernel(x, edge_index, W0a, W1a, W0b, W1b, w_modal):
    ept = N_EDGES // NW
    src = edge_index[0].astype(jnp.int32).reshape(NW, ept)
    dst = edge_index[1].astype(jnp.int32).reshape(NW, ept)
    zeros128 = jnp.zeros((N_NODES, D_FEAT), jnp.float32)

    t2 = _sc_aggregate(D_FEAT)(x, src, dst, zeros128)
    h = _tc_hidden(t2, W0a, W0b)
    u2 = _sc_aggregate(D_FEAT)(h, src, dst, zeros128)
    return _tc_out(u2, W1a, W1b, w_modal)

# --- scband reference (transcript-rebuilt; emitter-appended) ---
"""Pipeline reference for scband-parallel-gcn-1752346657336 (READ-ONLY COPY).

The authoritative reference and input builder live on the scoring server;
editing this copy changes nothing except your own understanding.
"""

import jax, jax.numpy as jnp
import numpy as np

N_NODES = 10000
N_EDGES = 320000
D_FEAT = 128
HIDDEN1 = 64
OUT_DIM = 16


def setup_inputs(seed: int = 0) -> dict:
    key = jax.random.key(seed)
    ks = jax.random.split(key, 8)
    x = jax.random.normal(ks[0], (N_NODES, D_FEAT), dtype=jnp.float32)
    edge_index = jax.random.randint(ks[1], (2, N_EDGES), 0, N_NODES, dtype=jnp.int64)
    W0a = jax.random.normal(ks[2], (D_FEAT, HIDDEN1), dtype=jnp.float32) * (1.0 / np.sqrt(D_FEAT))
    W1a = jax.random.normal(ks[3], (HIDDEN1, OUT_DIM), dtype=jnp.float32) * (1.0 / np.sqrt(HIDDEN1))
    W0b = jax.random.normal(ks[4], (D_FEAT, HIDDEN1), dtype=jnp.float32) * (1.0 / np.sqrt(D_FEAT))
    W1b = jax.random.normal(ks[5], (HIDDEN1, OUT_DIM), dtype=jnp.float32) * (1.0 / np.sqrt(HIDDEN1))
    w_modal = jax.random.normal(ks[6], (2,), dtype=jnp.float32)
    return {"x": x, "edge_index": edge_index, "W0a": W0a, "W1a": W1a, "W0b": W0b, "W1b": W1b, "w_modal": w_modal}


def _gcn_layer(h, W, src, dst, n_nodes):
    # pre_sup = H @ W ; support = A @ pre_sup via gather(src) + scatter-add(dst)
    pre = h @ W
    msgs = jnp.take(pre, src, axis=0)
    agg = jnp.zeros((n_nodes, W.shape[1]), dtype=pre.dtype).at[dst].add(msgs)
    return agg


def reference(x, edge_index, W0a, W1a, W0b, W1b, w_modal):
    src = edge_index[0]
    dst = edge_index[1]
    n = x.shape[0]
    # branch 0 (GraphConvolution0 x2)
    h0 = jax.nn.relu(_gcn_layer(x, W0a, src, dst, n))
    out0 = _gcn_layer(h0, W1a, src, dst, n)
    # branch 1 (GraphConvolution1 x2)
    h1 = jax.nn.relu(_gcn_layer(x, W0b, src, dst, n))
    out1 = _gcn_layer(h1, W1b, src, dst, n)
    # stack along axis=2 -> [N, out_dim, branches]; final Dense fuses the branch axis
    stacked = jnp.stack([out0, out1], axis=2)
    out = jnp.einsum('ncb,b->nc', stacked, w_modal)
    return out

if __name__ == "__main__":
    import jax
    _d = setup_inputs()
    print(jax.jit(kernel)(*tuple(_d.values())))

</pallas_src>

<mosaic_0001>
#map = affine_map<(d0, d1) -> (0, 0)>
#map1 = affine_map<(d0, d1) -> (0, 0, 0)>
module attributes {stable_mosaic.version = 14 : i64} {
  func.func @agg(%arg0: i32, %arg1: i32, %arg2: memref<10000x128xf32, #tpu.memory_space<hbm>>, %arg3: memref<32x10000xi32, #tpu.memory_space<hbm>>, %arg4: memref<32x10000xi32, #tpu.memory_space<hbm>>, %arg5: memref<10000x128xf32, #tpu.memory_space<hbm>>, %arg6: memref<2x10000x128xf32, #tpu.memory_space<hbm>>, %arg7: memref<10000xi32, #tpu.memory_space<vmem>>, %arg8: memref<10000xi32, #tpu.memory_space<vmem>>, %arg9: memref<240x128xf32, #tpu.memory_space<vmem>>, %arg10: memref<10000x128xf32, #tpu.memory_space<vmem_shared>>, %arg11: memref<6x!tpu.dma_semaphore, #tpu.memory_space<semaphore_mem>>, %arg12: memref<6x!tpu.dma_semaphore, #tpu.memory_space<semaphore_mem>>, %arg13: memref<3x!tpu.dma_semaphore, #tpu.memory_space<semaphore_mem>>) attributes {dimension_semantics = [#tpu.dimension_semantics<core_parallel>, #tpu.dimension_semantics<subcore_parallel>], iteration_bounds = array<i64: 2, 16>, scalar_prefetch = 0 : i64, scratch_operands = 7 : i64, tpu.core_type = #tpu.core_type<sc_vector_subcore>, window_params = [{transform_indices = #map}, {transform_indices = #map}, {transform_indices = #map}, {transform_indices = #map}, {transform_indices = #map1}]} {
    %mul3A = arith.constant 2 : i32
    %mul3A_0 = arith.muli %arg1, %mul3A : i32
    %add3A = arith.addi %mul3A_0, %arg0 : i32
    %mul3A_1 = arith.constant 632 : i32
    %mul3A_2 = arith.muli %arg1, %mul3A_1 : i32
    %multiple_of3A = tpu.assume_multiple %mul3A_2, 8 : i32
    %dma_start3A = arith.constant 0 : i32
    %dma_start3A_3 = arith.constant 0 : i32
    %dma_start3A_4 = tpu.memref_slice %arg3[%add3A, %dma_start3A_3] : memref<32x10000xi32, #tpu.memory_space<hbm>> -> memref<1x10000xi32, #tpu.memory_space<hbm>>
    %dma_start3A_5 = tpu.memref_squeeze %dma_start3A_4 : memref<1x10000xi32, #tpu.memory_space<hbm>> -> memref<10000xi32, #tpu.memory_space<hbm>>
    %dma_start3A_6 = tpu.memref_slice %arg13[%dma_start3A] : memref<3x!tpu.dma_semaphore, #tpu.memory_space<semaphore_mem>> -> memref<1x!tpu.dma_semaphore, #tpu.memory_space<semaphore_mem>>
    %dma_start3A_7 = tpu.memref_squeeze %dma_start3A_6 : memref<1x!tpu.dma_semaphore, #tpu.memory_space<semaphore_mem>> -> memref<!tpu.dma_semaphore, #tpu.memory_space<semaphore_mem>>
    %dma_start3A_8 = arith.constant 0 : i32
    %dma_start3A_9 = tpu.memref_slice %arg3[%add3A, %dma_start3A_8] : memref<32x10000xi32, #tpu.memory_space<hbm>> -> memref<1x10000xi32, #tpu.memory_space<hbm>>
    %dma_start3A_10 = tpu.memref_squeeze %dma_start3A_9 : memref<1x10000xi32, #tpu.memory_space<hbm>> -> memref<10000xi32, #tpu.memory_space<hbm>>
    tpu.enqueue_dma source(%dma_start3A_10 : memref<10000xi32, #tpu.memory_space<hbm>>) target(%arg7 : memref<10000xi32, #tpu.memory_space<vmem>>) target_semaphore(%dma_start3A_7 : memref<!tpu.dma_semaphore, #tpu.memory_space<semaphore_mem>>)
    %dma_start3A_11 = arith.constant 1 : i32
    %dma_start3A_12 = arith.constant 0 : i32
    %dma_start3A_13 = tpu.memref_slice %arg4[%add3A, %dma_start3A_12] : memref<32x10000xi32, #tpu.memory_space<hbm>> -> memref<1x10000xi32, #tpu.memory_space<hbm>>
    %dma_start3A_14 = tpu.memref_squeeze %dma_start3A_13 : memref<1x10000xi32, #tpu.memory_space<hbm>> -> memref<10000xi32, #tpu.memory_space<hbm>>
    %dma_start3A_15 = tpu.memref_slice %arg13[%dma_start3A_11] : memref<3x!tpu.dma_semaphore, #tpu.memory_space<semaphore_mem>> -> memref<1x!tpu.dma_semaphore, #tpu.memory_space<semaphore_mem>>
    %dma_start3A_16 = tpu.memref_squeeze %dma_start3A_15 : memref<1x!tpu.dma_semaphore, #tpu.memory_space<semaphore_mem>> -> memref<!tpu.dma_semaphore, #tpu.memory_space<semaphore_mem>>
    %dma_start3A_17 = arith.constant 0 : i32
    %dma_start3A_18 = tpu.memref_slice %arg4[%add3A, %dma_start3A_17] : memref<32x10000xi32, #tpu.memory_space<hbm>> -> memref<1x10000xi32, #tpu.memory_space<hbm>>
    %dma_start3A_19 = tpu.memref_squeeze %dma_start3A_18 : memref<1x10000xi32, #tpu.memory_space<hbm>> -> memref<10000xi32, #tpu.memory_space<hbm>>
    tpu.enqueue_dma source(%dma_start3A_19 : memref<10000xi32, #tpu.memory_space<hbm>>) target(%arg8 : memref<10000xi32, #tpu.memory_space<vmem>>) target_semaphore(%dma_start3A_16 : memref<!tpu.dma_semaphore, #tpu.memory_space<semaphore_mem>>)
    %lt3A = arith.constant 15 : i32
    %lt3A_20 = arith.cmpi slt, %arg1, %lt3A : i32
    %convert_element_type3A = arith.extui %lt3A_20 : i1 to i32
    %cond3A = arith.constant 0 : i32
    %cond3A_21 = arith.cmpi ne, %convert_element_type3A, %cond3A : i32
    scf.if %cond3A_21 {
      %dma_start3A_190 = arith.constant 2 : i32
      %dma_start3A_191 = tpu.memref_slice %arg13[%dma_start3A_190] : memref<3x!tpu.dma_semaphore, #tpu.memory_space<semaphore_mem>> -> memref<1x!tpu.dma_semaphore, #tpu.memory_space<semaphore_mem>>
      %dma_start3A_192 = tpu.memref_squeeze %dma_start3A_191 : memref<1x!tpu.dma_semaphore, #tpu.memory_space<semaphore_mem>> -> memref<!tpu.dma_semaphore, #tpu.memory_space<semaphore_mem>>
      %dma_start3A_193 = arith.constant 0 : i32
      %dma_start3A_194 = tpu.memref_slice %arg10[%multiple_of3A, %dma_start3A_193] : memref<10000x128xf32, #tpu.memory_space<vmem_shared>> -> memref<632x128xf32, #tpu.memory_space<vmem_shared>>
      %dma_start3A_195 = arith.constant 0 : i32
      %dma_start3A_196 = tpu.memref_slice %arg5[%multiple_of3A, %dma_start3A_195] : memref<10000x128xf32, #tpu.memory_space<hbm>> -> memref<632x128xf32, #tpu.memory_space<hbm>>
      tpu.enqueue_dma source(%dma_start3A_196 : memref<632x128xf32, #tpu.memory_space<hbm>>) target(%dma_start3A_194 : memref<632x128xf32, #tpu.memory_space<vmem_shared>>) target_semaphore(%dma_start3A_192 : memref<!tpu.dma_semaphore, #tpu.memory_space<semaphore_mem>>)
    } else {
    }
    %eq3A = arith.constant 15 : i32
    %eq3A_22 = arith.cmpi eq, %arg1, %eq3A : i32
    %convert_element_type3A_23 = arith.extui %eq3A_22 : i1 to i32
    %cond3A_24 = arith.constant 0 : i32
    %cond3A_25 = arith.cmpi ne, %convert_element_type3A_23, %cond3A_24 : i32
    scf.if %cond3A_25 {
      %dma_start3A_190 = arith.constant 2 : i32
      %dma_start3A_191 = tpu.memref_slice %arg13[%dma_start3A_190] : memref<3x!tpu.dma_semaphore, #tpu.memory_space<semaphore_mem>> -> memref<1x!tpu.dma_semaphore, #tpu.memory_space<semaphore_mem>>
      %dma_start3A_192 = tpu.memref_squeeze %dma_start3A_191 : memref<1x!tpu.dma_semaphore, #tpu.memory_space<semaphore_mem>> -> memref<!tpu.dma_semaphore, #tpu.memory_space<semaphore_mem>>
      %dma_start3A_193 = arith.constant 9480 : i32
      %dma_start3A_194 = arith.constant 0 : i32
      %dma_start3A_195 = tpu.memref_slice %arg10[%dma_start3A_193, %dma_start3A_194] : memref<10000x128xf32, #tpu.memory_space<vmem_shared>> -> memref<520x128xf32, #tpu.memory_space<vmem_shared>>
      %dma_start3A_196 = arith.constant 9480 : i32
      %dma_start3A_197 = arith.constant 0 : i32
      %dma_start3A_198 = tpu.memref_slice %arg5[%dma_start3A_196, %dma_start3A_197] : memref<10000x128xf32, #tpu.memory_space<hbm>> -> memref<520x128xf32, #tpu.memory_space<hbm>>
      tpu.enqueue_dma source(%dma_start3A_198 : memref<520x128xf32, #tpu.memory_space<hbm>>) target(%dma_start3A_195 : memref<520x128xf32, #tpu.memory_space<vmem_shared>>) target_semaphore(%dma_start3A_192 : memref<!tpu.dma_semaphore, #tpu.memory_space<semaphore_mem>>)
    } else {
    }
    %dma_wait3A = arith.constant 0 : i32
    %dma_wait3A_26 = arith.constant 0 : i32
    %dma_wait3A_27 = tpu.memref_slice %arg3[%add3A, %dma_wait3A_26] : memref<32x10000xi32, #tpu.memory_space<hbm>> -> memref<1x10000xi32, #tpu.memory_space<hbm>>
    %dma_wait3A_28 = tpu.memref_squeeze %dma_wait3A_27 : memref<1x10000xi32, #tpu.memory_space<hbm>> -> memref<10000xi32, #tpu.memory_space<hbm>>
    %dma_wait3A_29 = tpu.memref_slice %arg13[%dma_wait3A] : memref<3x!tpu.dma_semaphore, #tpu.memory_space<semaphore_mem>> -> memref<1x!tpu.dma_semaphore, #tpu.memory_space<semaphore_mem>>
    %dma_wait3A_30 = tpu.memref_squeeze %dma_wait3A_29 : memref<1x!tpu.dma_semaphore, #tpu.memory_space<semaphore_mem>> -> memref<!tpu.dma_semaphore, #tpu.memory_space<semaphore_mem>>
    %dma_wait3A_31 = arith.constant 0 : i32
    %dma_wait3A_32 = tpu.memref_slice %arg3[%add3A, %dma_wait3A_31] : memref<32x10000xi32, #tpu.memory_space<hbm>> -> memref<1x10000xi32, #tpu.memory_space<hbm>>
    %dma_wait3A_33 = tpu.memref_squeeze %dma_wait3A_32 : memref<1x10000xi32, #tpu.memory_space<hbm>> -> memref<10000xi32, #tpu.memory_space<hbm>>
    tpu.wait_dma2 semaphore(%dma_wait3A_30 : memref<!tpu.dma_semaphore, #tpu.memory_space<semaphore_mem>>) src(%dma_wait3A_33 : memref<10000xi32, #tpu.memory_space<hbm>>) dst(%arg7 : memref<10000xi32, #tpu.memory_space<vmem>>)
    %multiple_of3A_34 = arith.constant 0 : i32
    %multiple_of3A_35 = tpu.assume_multiple %multiple_of3A_34, 8 : i32
    %dma_start3A_36 = arith.constant 0 : i32
    %dma_start3A_37 = arith.constant 0 : i32
    %dma_start3A_38 = arith.constant 0 : i32
    %dma_start3A_39 = tpu.memref_slice %arg9[%dma_start3A_37, %dma_start3A_38] : memref<240x128xf32, #tpu.memory_space<vmem>> -> memref<40x128xf32, #tpu.memory_space<vmem>>
    %dma_start3A_40 = tpu.memref_slice %arg7[%multiple_of3A_35] : memref<10000xi32, #tpu.memory_space<vmem>> -> memref<40xi32, #tpu.memory_space<vmem>>
    %dma_start3A_41 = arith.constant 0 : i32
    %dma_start3A_42 = arith.constant 0 : i32
    %dma_start3A_43 = tpu.memref_slice %arg2[%dma_start3A_41, %dma_start3A_42] : memref<10000x128xf32, #tpu.memory_space<hbm>> -> memref<10000x128xf32, #tpu.memory_space<hbm>>
    %dma_start3A_44 = tpu.memref_slice %arg11[%dma_start3A_36] : memref<6x!tpu.dma_semaphore, #tpu.memory_space<semaphore_mem>> -> memref<1x!tpu.dma_semaphore, #tpu.memory_space<semaphore_mem>>
    %dma_start3A_45 = tpu.memref_squeeze %dma_start3A_44 : memref<1x!tpu.dma_semaphore, #tpu.memory_space<semaphore_mem>> -> memref<!tpu.dma_semaphore, #tpu.memory_space<semaphore_mem>>
    tpu.enqueue_indirect_dma source(%dma_start3A_43 : memref<10000x128xf32, #tpu.memory_space<hbm>>) target(%dma_start3A_39 : memref<40x128xf32, #tpu.memory_space<vmem>>) offsets(%dma_start3A_40 : memref<40xi32, #tpu.memory_space<vmem>>) semaphore(%dma_start3A_45 : memref<!tpu.dma_semaphore, #tpu.memory_space<semaphore_mem>>)
    %multiple_of3A_46 = arith.constant 40 : i32
    %multiple_of3A_47 = tpu.assume_multiple %multiple_of3A_46, 8 : i32
    %dma_start3A_48 = arith.constant 1 : i32
    %dma_start3A_49 = arith.constant 40 : i32
    %dma_start3A_50 = arith.constant 0 : i32
    %dma_start3A_51 = tpu.memref_slice %arg9[%dma_start3A_49, %dma_start3A_50] : memref<240x128xf32, #tpu.memory_space<vmem>> -> memref<40x128xf32, #tpu.memory_space<vmem>>
    %dma_start3A_52 = tpu.memref_slice %arg7[%multiple_of3A_47] : memref<10000xi32, #tpu.memory_space<vmem>> -> memref<40xi32, #tpu.memory_space<vmem>>
    %dma_start3A_53 = arith.constant 0 : i32
    %dma_start3A_54 = arith.constant 0 : i32
    %dma_start3A_55 = tpu.memref_slice %arg2[%dma_start3A_53, %dma_start3A_54] : memref<10000x128xf32, #tpu.memory_space<hbm>> -> memref<10000x128xf32, #tpu.memory_space<hbm>>
    %dma_start3A_56 = tpu.memref_slice %arg11[%dma_start3A_48] : memref<6x!tpu.dma_semaphore, #tpu.memory_space<semaphore_mem>> -> memref<1x!tpu.dma_semaphore, #tpu.memory_space<semaphore_mem>>
    %dma_start3A_57 = tpu.memref_squeeze %dma_start3A_56 : memref<1x!tpu.dma_semaphore, #tpu.memory_space<semaphore_mem>> -> memref<!tpu.dma_semaphore, #tpu.memory_space<semaphore_mem>>
    tpu.enqueue_indirect_dma source(%dma_start3A_55 : memref<10000x128xf32, #tpu.memory_space<hbm>>) target(%dma_start3A_51 : memref<40x128xf32, #tpu.memory_space<vmem>>) offsets(%dma_start3A_52 : memref<40xi32, #tpu.memory_space<vmem>>) semaphore(%dma_start3A_57 : memref<!tpu.dma_semaphore, #tpu.memory_space<semaphore_mem>>)
    %multiple_of3A_58 = arith.constant 80 : i32
    %multiple_of3A_59 = tpu.assume_multiple %multiple_of3A_58, 8 : i32
    %dma_start3A_60 = arith.constant 2 : i32
    %dma_start3A_61 = arith.constant 80 : i32
    %dma_start3A_62 = arith.constant 0 : i32
    %dma_start3A_63 = tpu.memref_slice %arg9[%dma_start3A_61, %dma_start3A_62] : memref<240x128xf32, #tpu.memory_space<vmem>> -> memref<40x128xf32, #tpu.memory_space<vmem>>
    %dma_start3A_64 = tpu.memref_slice %arg7[%multiple_of3A_59] : memref<10000xi32, #tpu.memory_space<vmem>> -> memref<40xi32, #tpu.memory_space<vmem>>
    %dma_start3A_65 = arith.constant 0 : i32
    %dma_start3A_66 = arith.constant 0 : i32
    %dma_start3A_67 = tpu.memref_slice %arg2[%dma_start3A_65, %dma_start3A_66] : memref<10000x128xf32, #tpu.memory_space<hbm>> -> memref<10000x128xf32, #tpu.memory_space<hbm>>
    %dma_start3A_68 = tpu.memref_slice %arg11[%dma_start3A_60] : memref<6x!tpu.dma_semaphore, #tpu.memory_space<semaphore_mem>> -> memref<1x!tpu.dma_semaphore, #tpu.memory_space<semaphore_mem>>
    %dma_start3A_69 = tpu.memref_squeeze %dma_start3A_68 : memref<1x!tpu.dma_semaphore, #tpu.memory_space<semaphore_mem>> -> memref<!tpu.dma_semaphore, #tpu.memory_space<semaphore_mem>>
    tpu.enqueue_indirect_dma source(%dma_start3A_67 : memref<10000x128xf32, #tpu.memory_space<hbm>>) target(%dma_start3A_63 : memref<40x128xf32, #tpu.memory_space<vmem>>) offsets(%dma_start3A_64 : memref<40xi32, #tpu.memory_space<vmem>>) semaphore(%dma_start3A_69 : memref<!tpu.dma_semaphore, #tpu.memory_space<semaphore_mem>>)
    %multiple_of3A_70 = arith.constant 120 : i32
    %multiple_of3A_71 = tpu.assume_multiple %multiple_of3A_70, 8 : i32
    %dma_start3A_72 = arith.constant 3 : i32
    %dma_start3A_73 = arith.constant 120 : i32
    %dma_start3A_74 = arith.constant 0 : i32
    %dma_start3A_75 = tpu.memref_slice %arg9[%dma_start3A_73, %dma_start3A_74] : memref<240x128xf32, #tpu.memory_space<vmem>> -> memref<40x128xf32, #tpu.memory_space<vmem>>
    %dma_start3A_76 = tpu.memref_slice %arg7[%multiple_of3A_71] : memref<10000xi32, #tpu.memory_space<vmem>> -> memref<40xi32, #tpu.memory_space<vmem>>
    %dma_start3A_77 = arith.constant 0 : i32
    %dma_start3A_78 = arith.constant 0 : i32
    %dma_start3A_79 = tpu.memref_slice %arg2[%dma_start3A_77, %dma_start3A_78] : memref<10000x128xf32, #tpu.memory_space<hbm>> -> memref<10000x128xf32, #tpu.memory_space<hbm>>
    %dma_start3A_80 = tpu.memref_slice %arg11[%dma_start3A_72] : memref<6x!tpu.dma_semaphore, #tpu.memory_space<semaphore_mem>> -> memref<1x!tpu.dma_semaphore, #tpu.memory_space<semaphore_mem>>
    %dma_start3A_81 = tpu.memref_squeeze %dma_start3A_80 : memref<1x!tpu.dma_semaphore, #tpu.memory_space<semaphore_mem>> -> memref<!tpu.dma_semaphore, #tpu.memory_space<semaphore_mem>>
    tpu.enqueue_indirect_dma source(%dma_start3A_79 : memref<10000x128xf32, #tpu.memory_space<hbm>>) target(%dma_start3A_75 : memref<40x128xf32, #tpu.memory_space<vmem>>) offsets(%dma_start3A_76 : memref<40xi32, #tpu.memory_space<vmem>>) semaphore(%dma_start3A_81 : memref<!tpu.dma_semaphore, #tpu.memory_space<semaphore_mem>>)
    %dma_wait3A_82 = arith.constant 1 : i32
    %dma_wait3A_83 = arith.constant 0 : i32
    %dma_wait3A_84 = tpu.memref_slice %arg4[%add3A, %dma_wait3A_83] : memref<32x10000xi32, #tpu.memory_space<hbm>> -> memref<1x10000xi32, #tpu.memory_space<hbm>>
    %dma_wait3A_85 = tpu.memref_squeeze %dma_wait3A_84 : memref<1x10000xi32, #tpu.memory_space<hbm>> -> memref<10000xi32, #tpu.memory_space<hbm>>
    %dma_wait3A_86 = tpu.memref_slice %arg13[%dma_wait3A_82] : memref<3x!tpu.dma_semaphore, #tpu.memory_space<semaphore_mem>> -> memref<1x!tpu.dma_semaphore, #tpu.memory_space<semaphore_mem>>
    %dma_wait3A_87 = tpu.memref_squeeze %dma_wait3A_86 : memref<1x!tpu.dma_semaphore, #tpu.memory_space<semaphore_mem>> -> memref<!tpu.dma_semaphore, #tpu.memory_space<semaphore_mem>>
    %dma_wait3A_88 = arith.constant 0 : i32
    %dma_wait3A_89 = tpu.memref_slice %arg4[%add3A, %dma_wait3A_88] : memref<32x10000xi32, #tpu.memory_space<hbm>> -> memref<1x10000xi32, #tpu.memory_space<hbm>>
    %dma_wait3A_90 = tpu.memref_squeeze %dma_wait3A_89 : memref<1x10000xi32, #tpu.memory_space<hbm>> -> memref<10000xi32, #tpu.memory_space<hbm>>
    tpu.wait_dma2 semaphore(%dma_wait3A_87 : memref<!tpu.dma_semaphore, #tpu.memory_space<semaphore_mem>>) src(%dma_wait3A_90 : memref<10000xi32, #tpu.memory_space<hbm>>) dst(%arg8 : memref<10000xi32, #tpu.memory_space<vmem>>)
    %lt3A_91 = arith.constant 15 : i32
    %lt3A_92 = arith.cmpi slt, %arg1, %lt3A_91 : i32
    %convert_element_type3A_93 = arith.extui %lt3A_92 : i1 to i32
    %cond3A_94 = arith.constant 0 : i32
    %cond3A_95 = arith.cmpi ne, %convert_element_type3A_93, %cond3A_94 : i32
    scf.if %cond3A_95 {
      %dma_wait3A_190 = arith.constant 2 : i32
      %dma_wait3A_191 = tpu.memref_slice %arg13[%dma_wait3A_190] : memref<3x!tpu.dma_semaphore, #tpu.memory_space<semaphore_mem>> -> memref<1x!tpu.dma_semaphore, #tpu.memory_space<semaphore_mem>>
      %dma_wait3A_192 = tpu.memref_squeeze %dma_wait3A_191 : memref<1x!tpu.dma_semaphore, #tpu.memory_space<semaphore_mem>> -> memref<!tpu.dma_semaphore, #tpu.memory_space<semaphore_mem>>
      %dma_wait3A_193 = arith.constant 0 : i32
      %dma_wait3A_194 = tpu.memref_slice %arg10[%multiple_of3A, %dma_wait3A_193] : memref<10000x128xf32, #tpu.memory_space<vmem_shared>> -> memref<632x128xf32, #tpu.memory_space<vmem_shared>>
      %dma_wait3A_195 = arith.constant 0 : i32
      %dma_wait3A_196 = tpu.memref_slice %arg5[%multiple_of3A, %dma_wait3A_195] : memref<10000x128xf32, #tpu.memory_space<hbm>> -> memref<632x128xf32, #tpu.memory_space<hbm>>
      tpu.wait_dma2 semaphore(%dma_wait3A_192 : memref<!tpu.dma_semaphore, #tpu.memory_space<semaphore_mem>>) src(%dma_wait3A_196 : memref<632x128xf32, #tpu.memory_space<hbm>>) dst(%dma_wait3A_194 : memref<632x128xf32, #tpu.memory_space<vmem_shared>>)
    } else {
    }
    %eq3A_96 = arith.constant 15 : i32
    %eq3A_97 = arith.cmpi eq, %arg1, %eq3A_96 : i32
    %convert_element_type3A_98 = arith.extui %eq3A_97 : i1 to i32
    %cond3A_99 = arith.constant 0 : i32
    %cond3A_100 = arith.cmpi ne, %convert_element_type3A_98, %cond3A_99 : i32
    scf.if %cond3A_100 {
      %dma_wait3A_190 = arith.constant 2 : i32
      %dma_wait3A_191 = tpu.memref_slice %arg13[%dma_wait3A_190] : memref<3x!tpu.dma_semaphore, #tpu.memory_space<semaphore_mem>> -> memref<1x!tpu.dma_semaphore, #tpu.memory_space<semaphore_mem>>
      %dma_wait3A_192 = tpu.memref_squeeze %dma_wait3A_191 : memref<1x!tpu.dma_semaphore, #tpu.memory_space<semaphore_mem>> -> memref<!tpu.dma_semaphore, #tpu.memory_space<semaphore_mem>>
      %dma_wait3A_193 = arith.constant 9480 : i32
      %dma_wait3A_194 = arith.constant 0 : i32
      %dma_wait3A_195 = tpu.memref_slice %arg10[%dma_wait3A_193, %dma_wait3A_194] : memref<10000x128xf32, #tpu.memory_space<vmem_shared>> -> memref<520x128xf32, #tpu.memory_space<vmem_shared>>
      %dma_wait3A_196 = arith.constant 9480 : i32
      %dma_wait3A_197 = arith.constant 0 : i32
      %dma_wait3A_198 = tpu.memref_slice %arg5[%dma_wait3A_196, %dma_wait3A_197] : memref<10000x128xf32, #tpu.memory_space<hbm>> -> memref<520x128xf32, #tpu.memory_space<hbm>>
      tpu.wait_dma2 semaphore(%dma_wait3A_192 : memref<!tpu.dma_semaphore, #tpu.memory_space<semaphore_mem>>) src(%dma_wait3A_198 : memref<520x128xf32, #tpu.memory_space<hbm>>) dst(%dma_wait3A_195 : memref<520x128xf32, #tpu.memory_space<vmem_shared>>)
    } else {
    }
    %barrier3A = arith.constant 0 : index
    tpu.barrier barrier_id(%barrier3A)
    %scan3A = arith.constant 0 : i32
    %scan3A_101 = arith.constant 0 : i32
    %scan3A_102 = arith.constant 250 : i32
    %scan3A_103 = arith.addi %scan3A_101, %scan3A_102 : i32
    %scan3A_104 = arith.constant 1 : i32
    %scan3A_105 = scf.for %scan3A_190 = %scan3A_101 to %scan3A_103 step %scan3A_104 iter_args(%scan3A_191 = %scan3A) -> (i32)  : i32 {
      %rem3A = arith.constant 6 : i32
      %rem3A_192 = arith.remsi %scan3A_190, %rem3A : i32
      %mul3A_193 = arith.constant 40 : i32
      %mul3A_194 = arith.muli %scan3A_190, %mul3A_193 : i32
      %multiple_of3A_195 = tpu.assume_multiple %mul3A_194, 8 : i32
      %mul3A_196 = arith.constant 40 : i32
      %mul3A_197 = arith.muli %rem3A_192, %mul3A_196 : i32
      %dma_wait3A_198 = arith.constant 0 : i32
      %dma_wait3A_199 = tpu.memref_slice %arg9[%mul3A_197, %dma_wait3A_198] : memref<240x128xf32, #tpu.memory_space<vmem>> -> memref<40x128xf32, #tpu.memory_space<vmem>>
      %dma_wait3A_200 = tpu.memref_slice %arg7[%multiple_of3A_195] : memref<10000xi32, #tpu.memory_space<vmem>> -> memref<40xi32, #tpu.memory_space<vmem>>
      %dma_wait3A_201 = arith.constant 0 : i32
      %dma_wait3A_202 = arith.constant 0 : i32
      %dma_wait3A_203 = tpu.memref_slice %arg2[%dma_wait3A_201, %dma_wait3A_202] : memref<10000x128xf32, #tpu.memory_space<hbm>> -> memref<10000x128xf32, #tpu.memory_space<hbm>>
      %dma_wait3A_204 = tpu.memref_slice %arg11[%rem3A_192] : memref<6x!tpu.dma_semaphore, #tpu.memory_space<semaphore_mem>> -> memref<1x!tpu.dma_semaphore, #tpu.memory_space<semaphore_mem>>
      %dma_wait3A_205 = tpu.memref_squeeze %dma_wait3A_204 : memref<1x!tpu.dma_semaphore, #tpu.memory_space<semaphore_mem>> -> memref<!tpu.dma_semaphore, #tpu.memory_space<semaphore_mem>>
      tpu.wait_indirect_dma semaphore(%dma_wait3A_205 : memref<!tpu.dma_semaphore, #tpu.memory_space<semaphore_mem>>) src(%dma_wait3A_203 : memref<10000x128xf32, #tpu.memory_space<hbm>>) dst(%dma_wait3A_199 : memref<40x128xf32, #tpu.memory_space<vmem>>)
      %mul3A_206 = arith.constant 40 : i32
      %mul3A_207 = arith.muli %scan3A_190, %mul3A_206 : i32
      %multiple_of3A_208 = tpu.assume_multiple %mul3A_207, 8 : i32
      %mul3A_209 = arith.constant 40 : i32
      %mul3A_210 = arith.muli %rem3A_192, %mul3A_209 : i32
      %dma_start3A_211 = arith.constant 0 : i32
      %dma_start3A_212 = tpu.memref_slice %arg9[%mul3A_210, %dma_start3A_211] : memref<240x128xf32, #tpu.memory_space<vmem>> -> memref<40x128xf32, #tpu.memory_space<vmem>>
      %dma_start3A_213 = tpu.memref_slice %arg8[%multiple_of3A_208] : memref<10000xi32, #tpu.memory_space<vmem>> -> memref<40xi32, #tpu.memory_space<vmem>>
      %dma_start3A_214 = arith.constant 0 : i32
      %dma_start3A_215 = arith.constant 0 : i32
      %dma_start3A_216 = tpu.memref_slice %arg10[%dma_start3A_214, %dma_start3A_215] : memref<10000x128xf32, #tpu.memory_space<vmem_shared>> -> memref<10000x128xf32, #tpu.memory_space<vmem_shared>>
      %dma_start3A_217 = tpu.memref_slice %arg12[%rem3A_192] : memref<6x!tpu.dma_semaphore, #tpu.memory_space<semaphore_mem>> -> memref<1x!tpu.dma_semaphore, #tpu.memory_space<semaphore_mem>>
      %dma_start3A_218 = tpu.memref_squeeze %dma_start3A_217 : memref<1x!tpu.dma_semaphore, #tpu.memory_space<semaphore_mem>> -> memref<!tpu.dma_semaphore, #tpu.memory_space<semaphore_mem>>
      tpu.enqueue_indirect_dma source(%dma_start3A_212 : memref<40x128xf32, #tpu.memory_space<vmem>>) target(%dma_start3A_216 : memref<10000x128xf32, #tpu.memory_space<vmem_shared>>) offsets(%dma_start3A_213 : memref<40xi32, #tpu.memory_space<vmem>>) semaphore(%dma_start3A_218 : memref<!tpu.dma_semaphore, #tpu.memory_space<semaphore_mem>>) {add = true}
      %add3A_219 = arith.constant 4 : i32
      %add3A_220 = arith.addi %scan3A_190, %add3A_219 : i32
      %rem3A_221 = arith.constant 6 : i32
      %rem3A_222 = arith.remsi %add3A_220, %rem3A_221 : i32
      %lt3A_223 = arith.constant 250 : i32
      %lt3A_224 = arith.cmpi slt, %add3A_220, %lt3A_223 : i32
      %convert_element_type3A_225 = arith.extui %lt3A_224 : i1 to i32
      %cond3A_226 = arith.constant 0 : i32
      %cond3A_227 = arith.cmpi ne, %convert_element_type3A_225, %cond3A_226 : i32
      scf.if %cond3A_227 {
        %ge3A = arith.constant 6 : i32
        %ge3A_229 = arith.cmpi sge, %add3A_220, %ge3A : i32
        %convert_element_type3A_230 = arith.extui %ge3A_229 : i1 to i32
        %cond3A_231 = arith.constant 0 : i32
        %cond3A_232 = arith.cmpi ne, %convert_element_type3A_230, %cond3A_231 : i32
        scf.if %cond3A_232 {
          %sub3A = arith.constant 6 : i32
          %sub3A_246 = arith.subi %add3A_220, %sub3A : i32
          %mul3A_247 = arith.constant 40 : i32
          %mul3A_248 = arith.muli %sub3A_246, %mul3A_247 : i32
          %multiple_of3A_249 = tpu.assume_multiple %mul3A_248, 8 : i32
          %mul3A_250 = arith.constant 40 : i32
          %mul3A_251 = arith.muli %rem3A_222, %mul3A_250 : i32
          %dma_wait3A_252 = arith.constant 0 : i32
          %dma_wait3A_253 = tpu.memref_slice %arg9[%mul3A_251, %dma_wait3A_252] : memref<240x128xf32, #tpu.memory_space<vmem>> -> memref<40x128xf32, #tpu.memory_space<vmem>>
          %dma_wait3A_254 = tpu.memref_slice %arg8[%multiple_of3A_249] : memref<10000xi32, #tpu.memory_space<vmem>> -> memref<40xi32, #tpu.memory_space<vmem>>
          %dma_wait3A_255 = arith.constant 0 : i32
          %dma_wait3A_256 = arith.constant 0 : i32
          %dma_wait3A_257 = tpu.memref_slice %arg10[%dma_wait3A_255, %dma_wait3A_256] : memref<10000x128xf32, #tpu.memory_space<vmem_shared>> -> memref<10000x128xf32, #tpu.memory_space<vmem_shared>>
          %dma_wait3A_258 = tpu.memref_slice %arg12[%rem3A_222] : memref<6x!tpu.dma_semaphore, #tpu.memory_space<semaphore_mem>> -> memref<1x!tpu.dma_semaphore, #tpu.memory_space<semaphore_mem>>
          %dma_wait3A_259 = tpu.memref_squeeze %dma_wait3A_258 : memref<1x!tpu.dma_semaphore, #tpu.memory_space<semaphore_mem>> -> memref<!tpu.dma_semaphore, #tpu.memory_space<semaphore_mem>>
          tpu.wait_indirect_dma semaphore(%dma_wait3A_259 : memref<!tpu.dma_semaphore, #tpu.memory_space<semaphore_mem>>) src(%dma_wait3A_253 : memref<40x128xf32, #tpu.memory_space<vmem>>) dst(%dma_wait3A_257 : memref<10000x128xf32, #tpu.memory_space<vmem_shared>>)
        } else {
        }
        %mul3A_233 = arith.constant 40 : i32
        %mul3A_234 = arith.muli %add3A_220, %mul3A_233 : i32
        %multiple_of3A_235 = tpu.assume_multiple %mul3A_234, 8 : i32
        %mul3A_236 = arith.constant 40 : i32
        %mul3A_237 = arith.muli %rem3A_222, %mul3A_236 : i32
        %dma_start3A_238 = arith.constant 0 : i32
        %dma_start3A_239 = tpu.memref_slice %arg9[%mul3A_237, %dma_start3A_238] : memref<240x128xf32, #tpu.memory_space<vmem>> -> memref<40x128xf32, #tpu.memory_space<vmem>>
        %dma_start3A_240 = tpu.memref_slice %arg7[%multiple_of3A_235] : memref<10000xi32, #tpu.memory_space<vmem>> -> memref<40xi32, #tpu.memory_space<vmem>>
        %dma_start3A_241 = arith.constant 0 : i32
        %dma_start3A_242 = arith.constant 0 : i32
        %dma_start3A_243 = tpu.memref_slice %arg2[%dma_start3A_241, %dma_start3A_242] : memref<10000x128xf32, #tpu.memory_space<hbm>> -> memref<10000x128xf32, #tpu.memory_space<hbm>>
        %dma_start3A_244 = tpu.memref_slice %arg11[%rem3A_222] : memref<6x!tpu.dma_semaphore, #tpu.memory_space<semaphore_mem>> -> memref<1x!tpu.dma_semaphore, #tpu.memory_space<semaphore_mem>>
        %dma_start3A_245 = tpu.memref_squeeze %dma_start3A_244 : memref<1x!tpu.dma_semaphore, #tpu.memory_space<semaphore_mem>> -> memref<!tpu.dma_semaphore, #tpu.memory_space<semaphore_mem>>
        tpu.enqueue_indirect_dma source(%dma_start3A_243 : memref<10000x128xf32, #tpu.memory_space<hbm>>) target(%dma_start3A_239 : memref<40x128xf32, #tpu.memory_space<vmem>>) offsets(%dma_start3A_240 : memref<40xi32, #tpu.memory_space<vmem>>) semaphore(%dma_start3A_245 : memref<!tpu.dma_semaphore, #tpu.memory_space<semaphore_mem>>)
      } else {
      }
      %scan3A_228 = arith.constant 0 : i32
      scf.yield %scan3A_228 : i32
    }
    %scan3A_106 = arith.constant 250 : i32
    %multiple_of3A_107 = arith.constant 9760 : i32
    %multiple_of3A_108 = tpu.assume_multiple %multiple_of3A_107, 8 : i32
    %dma_wait3A_109 = arith.constant 4 : i32
    %dma_wait3A_110 = arith.constant 160 : i32
    %dma_wait3A_111 = arith.constant 0 : i32
    %dma_wait3A_112 = tpu.memref_slice %arg9[%dma_wait3A_110, %dma_wait3A_111] : memref<240x128xf32, #tpu.memory_space<vmem>> -> memref<40x128xf32, #tpu.memory_space<vmem>>
    %dma_wait3A_113 = tpu.memref_slice %arg8[%multiple_of3A_108] : memref<10000xi32, #tpu.memory_space<vmem>> -> memref<40xi32, #tpu.memory_space<vmem>>
    %dma_wait3A_114 = arith.constant 0 : i32
    %dma_wait3A_115 = arith.constant 0 : i32
    %dma_wait3A_116 = tpu.memref_slice %arg10[%dma_wait3A_114, %dma_wait3A_115] : memref<10000x128xf32, #tpu.memory_space<vmem_shared>> -> memref<10000x128xf32, #tpu.memory_space<vmem_shared>>
    %dma_wait3A_117 = tpu.memref_slice %arg12[%dma_wait3A_109] : memref<6x!tpu.dma_semaphore, #tpu.memory_space<semaphore_mem>> -> memref<1x!tpu.dma_semaphore, #tpu.memory_space<semaphore_mem>>
    %dma_wait3A_118 = tpu.memref_squeeze %dma_wait3A_117 : memref<1x!tpu.dma_semaphore, #tpu.memory_space<semaphore_mem>> -> memref<!tpu.dma_semaphore, #tpu.memory_space<semaphore_mem>>
    tpu.wait_indirect_dma semaphore(%dma_wait3A_118 : memref<!tpu.dma_semaphore, #tpu.memory_space<semaphore_mem>>) src(%dma_wait3A_112 : memref<40x128xf32, #tpu.memory_space<vmem>>) dst(%dma_wait3A_116 : memref<10000x128xf32, #tpu.memory_space<vmem_shared>>)
    %multiple_of3A_119 = arith.constant 9800 : i32
    %multiple_of3A_120 = tpu.assume_multiple %multiple_of3A_119, 8 : i32
    %dma_wait3A_121 = arith.constant 5 : i32
    %dma_wait3A_122 = arith.constant 200 : i32
    %dma_wait3A_123 = arith.constant 0 : i32
    %dma_wait3A_124 = tpu.memref_slice %arg9[%dma_wait3A_122, %dma_wait3A_123] : memref<240x128xf32, #tpu.memory_space<vmem>> -> memref<40x128xf32, #tpu.memory_space<vmem>>
    %dma_wait3A_125 = tpu.memref_slice %arg8[%multiple_of3A_120] : memref<10000xi32, #tpu.memory_space<vmem>> -> memref<40xi32, #tpu.memory_space<vmem>>
    %dma_wait3A_126 = arith.constant 0 : i32
    %dma_wait3A_127 = arith.constant 0 : i32
    %dma_wait3A_128 = tpu.memref_slice %arg10[%dma_wait3A_126, %dma_wait3A_127] : memref<10000x128xf32, #tpu.memory_space<vmem_shared>> -> memref<10000x128xf32, #tpu.memory_space<vmem_shared>>
    %dma_wait3A_129 = tpu.memref_slice %arg12[%dma_wait3A_121] : memref<6x!tpu.dma_semaphore, #tpu.memory_space<semaphore_mem>> -> memref<1x!tpu.dma_semaphore, #tpu.memory_space<semaphore_mem>>
    %dma_wait3A_130 = tpu.memref_squeeze %dma_wait3A_129 : memref<1x!tpu.dma_semaphore, #tpu.memory_space<semaphore_mem>> -> memref<!tpu.dma_semaphore, #tpu.memory_space<semaphore_mem>>
    tpu.wait_indirect_dma semaphore(%dma_wait3A_130 : memref<!tpu.dma_semaphore, #tpu.memory_space<semaphore_mem>>) src(%dma_wait3A_124 : memref<40x128xf32, #tpu.memory_space<vmem>>) dst(%dma_wait3A_128 : memref<10000x128xf32, #tpu.memory_space<vmem_shared>>)
    %multiple_of3A_131 = arith.constant 9840 : i32
    %multiple_of3A_132 = tpu.assume_multiple %multiple_of3A_131, 8 : i32
    %dma_wait3A_133 = arith.constant 0 : i32
    %dma_wait3A_134 = arith.constant 0 : i32
    %dma_wait3A_135 = arith.constant 0 : i32
    %dma_wait3A_136 = tpu.memref_slice %arg9[%dma_wait3A_134, %dma_wait3A_135] : memref<240x128xf32, #tpu.memory_space<vmem>> -> memref<40x128xf32, #tpu.memory_space<vmem>>
    %dma_wait3A_137 = tpu.memref_slice %arg8[%multiple_of3A_132] : memref<10000xi32, #tpu.memory_space<vmem>> -> memref<40xi32, #tpu.memory_space<vmem>>
    %dma_wait3A_138 = arith.constant 0 : i32
    %dma_wait3A_139 = arith.constant 0 : i32
    %dma_wait3A_140 = tpu.memref_slice %arg10[%dma_wait3A_138, %dma_wait3A_139] : memref<10000x128xf32, #tpu.memory_space<vmem_shared>> -> memref<10000x128xf32, #tpu.memory_space<vmem_shared>>
    %dma_wait3A_141 = tpu.memref_slice %arg12[%dma_wait3A_133] : memref<6x!tpu.dma_semaphore, #tpu.memory_space<semaphore_mem>> -> memref<1x!tpu.dma_semaphore, #tpu.memory_space<semaphore_mem>>
    %dma_wait3A_142 = tpu.memref_squeeze %dma_wait3A_141 : memref<1x!tpu.dma_semaphore, #tpu.memory_space<semaphore_mem>> -> memref<!tpu.dma_semaphore, #tpu.memory_space<semaphore_mem>>
    tpu.wait_indirect_dma semaphore(%dma_wait3A_142 : memref<!tpu.dma_semaphore, #tpu.memory_space<semaphore_mem>>) src(%dma_wait3A_136 : memref<40x128xf32, #tpu.memory_space<vmem>>) dst(%dma_wait3A_140 : memref<10000x128xf32, #tpu.memory_space<vmem_shared>>)
    %multiple_of3A_143 = arith.constant 9880 : i32
    %multiple_of3A_144 = tpu.assume_multiple %multiple_of3A_143, 8 : i32
    %dma_wait3A_145 = arith.constant 1 : i32
    %dma_wait3A_146 = arith.constant 40 : i32
    %dma_wait3A_147 = arith.constant 0 : i32
    %dma_wait3A_148 = tpu.memref_slice %arg9[%dma_wait3A_146, %dma_wait3A_147] : memref<240x128xf32, #tpu.memory_space<vmem>> -> memref<40x128xf32, #tpu.memory_space<vmem>>
    %dma_wait3A_149 = tpu.memref_slice %arg8[%multiple_of3A_144] : memref<10000xi32, #tpu.memory_space<vmem>> -> memref<40xi32, #tpu.memory_space<vmem>>
    %dma_wait3A_150 = arith.constant 0 : i32
    %dma_wait3A_151 = arith.constant 0 : i32
    %dma_wait3A_152 = tpu.memref_slice %arg10[%dma_wait3A_150, %dma_wait3A_151] : memref<10000x128xf32, #tpu.memory_space<vmem_shared>> -> memref<10000x128xf32, #tpu.memory_space<vmem_shared>>
    %dma_wait3A_153 = tpu.memref_slice %arg12[%dma_wait3A_145] : memref<6x!tpu.dma_semaphore, #tpu.memory_space<semaphore_mem>> -> memref<1x!tpu.dma_semaphore, #tpu.memory_space<semaphore_mem>>
    %dma_wait3A_154 = tpu.memref_squeeze %dma_wait3A_153 : memref<1x!tpu.dma_semaphore, #tpu.memory_space<semaphore_mem>> -> memref<!tpu.dma_semaphore, #tpu.memory_space<semaphore_mem>>
    tpu.wait_indirect_dma semaphore(%dma_wait3A_154 : memref<!tpu.dma_semaphore, #tpu.memory_space<semaphore_mem>>) src(%dma_wait3A_148 : memref<40x128xf32, #tpu.memory_space<vmem>>) dst(%dma_wait3A_152 : memref<10000x128xf32, #tpu.memory_space<vmem_shared>>)
    %multiple_of3A_155 = arith.constant 9920 : i32
    %multiple_of3A_156 = tpu.assume_multiple %multiple_of3A_155, 8 : i32
    %dma_wait3A_157 = arith.constant 2 : i32
    %dma_wait3A_158 = arith.constant 80 : i32
    %dma_wait3A_159 = arith.constant 0 : i32
    %dma_wait3A_160 = tpu.memref_slice %arg9[%dma_wait3A_158, %dma_wait3A_159] : memref<240x128xf32, #tpu.memory_space<vmem>> -> memref<40x128xf32, #tpu.memory_space<vmem>>
    %dma_wait3A_161 = tpu.memref_slice %arg8[%multiple_of3A_156] : memref<10000xi32, #tpu.memory_space<vmem>> -> memref<40xi32, #tpu.memory_space<vmem>>
    %dma_wait3A_162 = arith.constant 0 : i32
    %dma_wait3A_163 = arith.constant 0 : i32
    %dma_wait3A_164 = tpu.memref_slice %arg10[%dma_wait3A_162, %dma_wait3A_163] : memref<10000x128xf32, #tpu.memory_space<vmem_shared>> -> memref<10000x128xf32, #tpu.memory_space<vmem_shared>>
    %dma_wait3A_165 = tpu.memref_slice %arg12[%dma_wait3A_157] : memref<6x!tpu.dma_semaphore, #tpu.memory_space<semaphore_mem>> -> memref<1x!tpu.dma_semaphore, #tpu.memory_space<semaphore_mem>>
    %dma_wait3A_166 = tpu.memref_squeeze %dma_wait3A_165 : memref<1x!tpu.dma_semaphore, #tpu.memory_space<semaphore_mem>> -> memref<!tpu.dma_semaphore, #tpu.memory_space<semaphore_mem>>
    tpu.wait_indirect_dma semaphore(%dma_wait3A_166 : memref<!tpu.dma_semaphore, #tpu.memory_space<semaphore_mem>>) src(%dma_wait3A_160 : memref<40x128xf32, #tpu.memory_space<vmem>>) dst(%dma_wait3A_164 : memref<10000x128xf32, #tpu.memory_space<vmem_shared>>)
    %multiple_of3A_167 = arith.constant 9960 : i32
    %multiple_of3A_168 = tpu.assume_multiple %multiple_of3A_167, 8 : i32
    %dma_wait3A_169 = arith.constant 3 : i32
    %dma_wait3A_170 = arith.constant 120 : i32
    %dma_wait3A_171 = arith.constant 0 : i32
    %dma_wait3A_172 = tpu.memref_slice %arg9[%dma_wait3A_170, %dma_wait3A_171] : memref<240x128xf32, #tpu.memory_space<vmem>> -> memref<40x128xf32, #tpu.memory_space<vmem>>
    %dma_wait3A_173 = tpu.memref_slice %arg8[%multiple_of3A_168] : memref<10000xi32, #tpu.memory_space<vmem>> -> memref<40xi32, #tpu.memory_space<vmem>>
    %dma_wait3A_174 = arith.constant 0 : i32
    %dma_wait3A_175 = arith.constant 0 : i32
    %dma_wait3A_176 = tpu.memref_slice %arg10[%dma_wait3A_174, %dma_wait3A_175] : memref<10000x128xf32, #tpu.memory_space<vmem_shared>> -> memref<10000x128xf32, #tpu.memory_space<vmem_shared>>
    %dma_wait3A_177 = tpu.memref_slice %arg12[%dma_wait3A_169] : memref<6x!tpu.dma_semaphore, #tpu.memory_space<semaphore_mem>> -> memref<1x!tpu.dma_semaphore, #tpu.memory_space<semaphore_mem>>
    %dma_wait3A_178 = tpu.memref_squeeze %dma_wait3A_177 : memref<1x!tpu.dma_semaphore, #tpu.memory_space<semaphore_mem>> -> memref<!tpu.dma_semaphore, #tpu.memory_space<semaphore_mem>>
    tpu.wait_indirect_dma semaphore(%dma_wait3A_178 : memref<!tpu.dma_semaphore, #tpu.memory_space<semaphore_mem>>) src(%dma_wait3A_172 : memref<40x128xf32, #tpu.memory_space<vmem>>) dst(%dma_wait3A_176 : memref<10000x128xf32, #tpu.memory_space<vmem_shared>>)
    %barrier3A_179 = arith.constant 0 : index
    tpu.barrier barrier_id(%barrier3A_179)
    %lt3A_180 = arith.constant 15 : i32
    %lt3A_181 = arith.cmpi slt, %arg1, %lt3A_180 : i32
    %convert_element_type3A_182 = arith.extui %lt3A_181 : i1 to i32
    %cond3A_183 = arith.constant 0 : i32
    %cond3A_184 = arith.cmpi ne, %convert_element_type3A_182, %cond3A_183 : i32
    scf.if %cond3A_184 {
      "tpu.region"() ({
        %run_scoped3A = tpu.sem_alloc : memref<!tpu.dma_semaphore, #tpu.memory_space<semaphore_mem>>
        %dma_start3A_190 = arith.constant 0 : i32
        %dma_start3A_191 = tpu.memref_slice %arg6[%arg0, %multiple_of3A, %dma_start3A_190] : memref<2x10000x128xf32, #tpu.memory_space<hbm>> -> memref<1x632x128xf32, #tpu.memory_space<hbm>>
        %dma_start3A_192 = tpu.memref_squeeze %dma_start3A_191 : memref<1x632x128xf32, #tpu.memory_space<hbm>> -> memref<632x128xf32, #tpu.memory_space<hbm>>
        %dma_start3A_193 = arith.constant 0 : i32
        %dma_start3A_194 = tpu.memref_slice %arg10[%multiple_of3A, %dma_start3A_193] : memref<10000x128xf32, #tpu.memory_space<vmem_shared>> -> memref<632x128xf32, #tpu.memory_space<vmem_shared>>
        tpu.enqueue_dma source(%dma_start3A_194 : memref<632x128xf32, #tpu.memory_space<vmem_shared>>) target(%dma_start3A_192 : memref<632x128xf32, #tpu.memory_space<hbm>>) target_semaphore(%run_scoped3A : memref<!tpu.dma_semaphore, #tpu.memory_space<semaphore_mem>>)
        %dma_wait3A_195 = arith.constant 0 : i32
        %dma_wait3A_196 = tpu.memref_slice %arg6[%arg0, %multiple_of3A, %dma_wait3A_195] : memref<2x10000x128xf32, #tpu.memory_space<hbm>> -> memref<1x632x128xf32, #tpu.memory_space<hbm>>
        %dma_wait3A_197 = tpu.memref_squeeze %dma_wait3A_196 : memref<1x632x128xf32, #tpu.memory_space<hbm>> -> memref<632x128xf32, #tpu.memory_space<hbm>>
        %dma_wait3A_198 = arith.constant 0 : i32
        %dma_wait3A_199 = tpu.memref_slice %arg10[%multiple_of3A, %dma_wait3A_198] : memref<10000x128xf32, #tpu.memory_space<vmem_shared>> -> memref<632x128xf32, #tpu.memory_space<vmem_shared>>
        tpu.wait_dma2 semaphore(%run_scoped3A : memref<!tpu.dma_semaphore, #tpu.memory_space<semaphore_mem>>) src(%dma_wait3A_199 : memref<632x128xf32, #tpu.memory_space<vmem_shared>>) dst(%dma_wait3A_197 : memref<632x128xf32, #tpu.memory_space<hbm>>)
        tpu.yield
      }) : () -> ()
    } else {
    }
    %eq3A_185 = arith.constant 15 : i32
    %eq3A_186 = arith.cmpi eq, %arg1, %eq3A_185 : i32
    %convert_element_type3A_187 = arith.extui %eq3A_186 : i1 to i32
    %cond3A_188 = arith.constant 0 : i32
    %cond3A_189 = arith.cmpi ne, %convert_element_type3A_187, %cond3A_188 : i32
    scf.if %cond3A_189 {
      "tpu.region"() ({
        %run_scoped3A = tpu.sem_alloc : memref<!tpu.dma_semaphore, #tpu.memory_space<semaphore_mem>>
        %dma_start3A_190 = arith.constant 9480 : i32
        %dma_start3A_191 = arith.constant 0 : i32
        %dma_start3A_192 = tpu.memref_slice %arg6[%arg0, %dma_start3A_190, %dma_start3A_191] : memref<2x10000x128xf32, #tpu.memory_space<hbm>> -> memref<1x520x128xf32, #tpu.memory_space<hbm>>
        %dma_start3A_193 = tpu.memref_squeeze %dma_start3A_192 : memref<1x520x128xf32, #tpu.memory_space<hbm>> -> memref<520x128xf32, #tpu.memory_space<hbm>>
        %dma_start3A_194 = arith.constant 9480 : i32
        %dma_start3A_195 = arith.constant 0 : i32
        %dma_start3A_196 = tpu.memref_slice %arg10[%dma_start3A_194, %dma_start3A_195] : memref<10000x128xf32, #tpu.memory_space<vmem_shared>> -> memref<520x128xf32, #tpu.memory_space<vmem_shared>>
        tpu.enqueue_dma source(%dma_start3A_196 : memref<520x128xf32, #tpu.memory_space<vmem_shared>>) target(%dma_start3A_193 : memref<520x128xf32, #tpu.memory_space<hbm>>) target_semaphore(%run_scoped3A : memref<!tpu.dma_semaphore, #tpu.memory_space<semaphore_mem>>)
        %dma_wait3A_197 = arith.constant 9480 : i32
        %dma_wait3A_198 = arith.constant 0 : i32
        %dma_wait3A_199 = tpu.memref_slice %arg6[%arg0, %dma_wait3A_197, %dma_wait3A_198] : memref<2x10000x128xf32, #tpu.memory_space<hbm>> -> memref<1x520x128xf32, #tpu.memory_space<hbm>>
        %dma_wait3A_200 = tpu.memref_squeeze %dma_wait3A_199 : memref<1x520x128xf32, #tpu.memory_space<hbm>> -> memref<520x128xf32, #tpu.memory_space<hbm>>
        %dma_wait3A_201 = arith.constant 9480 : i32
        %dma_wait3A_202 = arith.constant 0 : i32
        %dma_wait3A_203 = tpu.memref_slice %arg10[%dma_wait3A_201, %dma_wait3A_202] : memref<10000x128xf32, #tpu.memory_space<vmem_shared>> -> memref<520x128xf32, #tpu.memory_space<vmem_shared>>
        tpu.wait_dma2 semaphore(%run_scoped3A : memref<!tpu.dma_semaphore, #tpu.memory_space<semaphore_mem>>) src(%dma_wait3A_203 : memref<520x128xf32, #tpu.memory_space<vmem_shared>>) dst(%dma_wait3A_200 : memref<520x128xf32, #tpu.memory_space<hbm>>)
        tpu.yield
      }) : () -> ()
    } else {
    }
    return
  }
}

#map = affine_map<(d0, d1) -> (0, 0)>
#map1 = affine_map<(d0, d1) -> (0, 0, 0)>
module attributes {stable_mosaic.version = 14 : i64} {
  func.func @agg(%arg0: i32, %arg1: i32, %arg2: memref<10000x128xf32, #tpu.memory_space<hbm>>, %arg3: memref<32x10000xi32, #tpu.memory_space<hbm>>, %arg4: memref<32x10000xi32, #tpu.memory_space<hbm>>, %arg5: memref<10000x128xf32, #tpu.memory_space<hbm>>, %arg6: memref<2x10000x128xf32, #tpu.memory_space<hbm>>, %arg7: memref<10000xi32, #tpu.memory_space<vmem>>, %arg8: memref<10000xi32, #tpu.memory_space<vmem>>, %arg9: memref<240x128xf32, #tpu.memory_space<vmem>>, %arg10: memref<10000x128xf32, #tpu.memory_space<vmem_shared>>, %arg11: memref<6x!tpu.dma_semaphore, #tpu.memory_space<semaphore_mem>>, %arg12: memref<6x!tpu.dma_semaphore, #tpu.memory_space<semaphore_mem>>, %arg13: memref<3x!tpu.dma_semaphore, #tpu.memory_space<semaphore_mem>>) attributes {dimension_semantics = [#tpu.dimension_semantics<core_parallel>, #tpu.dimension_semantics<subcore_parallel>], iteration_bounds = array<i64: 2, 16>, scalar_prefetch = 0 : i64, scratch_operands = 7 : i64, tpu.core_type = #tpu.core_type<sc_vector_subcore>, window_params = [{transform_indices = #map}, {transform_indices = #map}, {transform_indices = #map}, {transform_indices = #map}, {transform_indices = #map1}]} {
    %mul3A = arith.constant 2 : i32
    %mul3A_0 = arith.muli %arg1, %mul3A : i32
    %add3A = arith.addi %mul3A_0, %arg0 : i32
    %mul3A_1 = arith.constant 632 : i32
    %mul3A_2 = arith.muli %arg1, %mul3A_1 : i32
    %multiple_of3A = tpu.assume_multiple %mul3A_2, 8 : i32
    %dma_start3A = arith.constant 0 : i32
    %dma_start3A_3 = arith.constant 0 : i32
    %dma_start3A_4 = tpu.memref_slice %arg3[%add3A, %dma_start3A_3] : memref<32x10000xi32, #tpu.memory_space<hbm>> -> memref<1x10000xi32, #tpu.memory_space<hbm>>
    %dma_start3A_5 = tpu.memref_squeeze %dma_start3A_4 : memref<1x10000xi32, #tpu.memory_space<hbm>> -> memref<10000xi32, #tpu.memory_space<hbm>>
    %dma_start3A_6 = tpu.memref_slice %arg13[%dma_start3A] : memref<3x!tpu.dma_semaphore, #tpu.memory_space<semaphore_mem>> -> memref<1x!tpu.dma_semaphore, #tpu.memory_space<semaphore_mem>>
    %dma_start3A_7 = tpu.memref_squeeze %dma_start3A_6 : memref<1x!tpu.dma_semaphore, #tpu.memory_space<semaphore_mem>> -> memref<!tpu.dma_semaphore, #tpu.memory_space<semaphore_mem>>
    %dma_start3A_8 = arith.constant 0 : i32
    %dma_start3A_9 = tpu.memref_slice %arg3[%add3A, %dma_start3A_8] : memref<32x10000xi32, #tpu.memory_space<hbm>> -> memref<1x10000xi32, #tpu.memory_space<hbm>>
    %dma_start3A_10 = tpu.memref_squeeze %dma_start3A_9 : memref<1x10000xi32, #tpu.memory_space<hbm>> -> memref<10000xi32, #tpu.memory_space<hbm>>
    tpu.enqueue_dma source(%dma_start3A_10 : memref<10000xi32, #tpu.memory_space<hbm>>) target(%arg7 : memref<10000xi32, #tpu.memory_space<vmem>>) target_semaphore(%dma_start3A_7 : memref<!tpu.dma_semaphore, #tpu.memory_space<semaphore_mem>>)
    %dma_start3A_11 = arith.constant 1 : i32
    %dma_start3A_12 = arith.constant 0 : i32
    %dma_start3A_13 = tpu.memref_slice %arg4[%add3A, %dma_start3A_12] : memref<32x10000xi32, #tpu.memory_space<hbm>> -> memref<1x10000xi32, #tpu.memory_space<hbm>>
    %dma_start3A_14 = tpu.memref_squeeze %dma_start3A_13 : memref<1x10000xi32, #tpu.memory_space<hbm>> -> memref<10000xi32, #tpu.memory_space<hbm>>
    %dma_start3A_15 = tpu.memref_slice %arg13[%dma_start3A_11] : memref<3x!tpu.dma_semaphore, #tpu.memory_space<semaphore_mem>> -> memref<1x!tpu.dma_semaphore, #tpu.memory_space<semaphore_mem>>
    %dma_start3A_16 = tpu.memref_squeeze %dma_start3A_15 : memref<1x!tpu.dma_semaphore, #tpu.memory_space<semaphore_mem>> -> memref<!tpu.dma_semaphore, #tpu.memory_space<semaphore_mem>>
    %dma_start3A_17 = arith.constant 0 : i32
    %dma_start3A_18 = tpu.memref_slice %arg4[%add3A, %dma_start3A_17] : memref<32x10000xi32, #tpu.memory_space<hbm>> -> memref<1x10000xi32, #tpu.memory_space<hbm>>
    %dma_start3A_19 = tpu.memref_squeeze %dma_start3A_18 : memref<1x10000xi32, #tpu.memory_space<hbm>> -> memref<10000xi32, #tpu.memory_space<hbm>>
    tpu.enqueue_dma source(%dma_start3A_19 : memref<10000xi32, #tpu.memory_space<hbm>>) target(%arg8 : memref<10000xi32, #tpu.memory_space<vmem>>) target_semaphore(%dma_start3A_16 : memref<!tpu.dma_semaphore, #tpu.memory_space<semaphore_mem>>)
    %lt3A = arith.constant 15 : i32
    %lt3A_20 = arith.cmpi slt, %arg1, %lt3A : i32
    %convert_element_type3A = arith.extui %lt3A_20 : i1 to i32
    %cond3A = arith.constant 0 : i32
    %cond3A_21 = arith.cmpi ne, %convert_element_type3A, %cond3A : i32
    scf.if %cond3A_21 {
      %dma_start3A_190 = arith.constant 2 : i32
      %dma_start3A_191 = tpu.memref_slice %arg13[%dma_start3A_190] : memref<3x!tpu.dma_semaphore, #tpu.memory_space<semaphore_mem>> -> memref<1x!tpu.dma_semaphore, #tpu.memory_space<semaphore_mem>>
      %dma_start3A_192 = tpu.memref_squeeze %dma_start3A_191 : memref<1x!tpu.dma_semaphore, #tpu.memory_space<semaphore_mem>> -> memref<!tpu.dma_semaphore, #tpu.memory_space<semaphore_mem>>
      %dma_start3A_193 = arith.constant 0 : i32
      %dma_start3A_194 = tpu.memref_slice %arg10[%multiple_of3A, %dma_start3A_193] : memref<10000x128xf32, #tpu.memory_space<vmem_shared>> -> memref<632x128xf32, #tpu.memory_space<vmem_shared>>
      %dma_start3A_195 = arith.constant 0 : i32
      %dma_start3A_196 = tpu.memref_slice %arg5[%multiple_of3A, %dma_start3A_195] : memref<10000x128xf32, #tpu.memory_space<hbm>> -> memref<632x128xf32, #tpu.memory_space<hbm>>
      tpu.enqueue_dma source(%dma_start3A_196 : memref<632x128xf32, #tpu.memory_space<hbm>>) target(%dma_start3A_194 : memref<632x128xf32, #tpu.memory_space<vmem_shared>>) target_semaphore(%dma_start3A_192 : memref<!tpu.dma_semaphore, #tpu.memory_space<semaphore_mem>>)
    } else {
    }
    %eq3A = arith.constant 15 : i32
    %eq3A_22 = arith.cmpi eq, %arg1, %eq3A : i32
    %convert_element_type3A_23 = arith.extui %eq3A_22 : i1 to i32
    %cond3A_24 = arith.constant 0 : i32
    %cond3A_25 = arith.cmpi ne, %convert_element_type3A_23, %cond3A_24 : i32
    scf.if %cond3A_25 {
      %dma_start3A_190 = arith.constant 2 : i32
      %dma_start3A_191 = tpu.memref_slice %arg13[%dma_start3A_190] : memref<3x!tpu.dma_semaphore, #tpu.memory_space<semaphore_mem>> -> memref<1x!tpu.dma_semaphore, #tpu.memory_space<semaphore_mem>>
      %dma_start3A_192 = tpu.memref_squeeze %dma_start3A_191 : memref<1x!tpu.dma_semaphore, #tpu.memory_space<semaphore_mem>> -> memref<!tpu.dma_semaphore, #tpu.memory_space<semaphore_mem>>
      %dma_start3A_193 = arith.constant 9480 : i32
      %dma_start3A_194 = arith.constant 0 : i32
      %dma_start3A_195 = tpu.memref_slice %arg10[%dma_start3A_193, %dma_start3A_194] : memref<10000x128xf32, #tpu.memory_space<vmem_shared>> -> memref<520x128xf32, #tpu.memory_space<vmem_shared>>
      %dma_start3A_196 = arith.constant 9480 : i32
      %dma_start3A_197 = arith.constant 0 : i32
      %dma_start3A_198 = tpu.memref_slice %arg5[%dma_start3A_196, %dma_start3A_197] : memref<10000x128xf32, #tpu.memory_space<hbm>> -> memref<520x128xf32, #tpu.memory_space<hbm>>
      tpu.enqueue_dma source(%dma_start3A_198 : memref<520x128xf32, #tpu.memory_space<hbm>>) target(%dma_start3A_195 : memref<520x128xf32, #tpu.memory_space<vmem_shared>>) target_semaphore(%dma_start3A_192 : memref<!tpu.dma_semaphore, #tpu.memory_space<semaphore_mem>>)
    } else {
    }
    %dma_wait3A = arith.constant 0 : i32
    %dma_wait3A_26 = arith.constant 0 : i32
    %dma_wait3A_27 = tpu.memref_slice %arg3[%add3A, %dma_wait3A_26] : memref<32x10000xi32, #tpu.memory_space<hbm>> -> memref<1x10000xi32, #tpu.memory_space<hbm>>
    %dma_wait3A_28 = tpu.memref_squeeze %dma_wait3A_27 : memref<1x10000xi32, #tpu.memory_space<hbm>> -> memref<10000xi32, #tpu.memory_space<hbm>>
    %dma_wait3A_29 = tpu.memref_slice %arg13[%dma_wait3A] : memref<3x!tpu.dma_semaphore, #tpu.memory_space<semaphore_mem>> -> memref<1x!tpu.dma_semaphore, #tpu.memory_space<semaphore_mem>>
    %dma_wait3A_30 = tpu.memref_squeeze %dma_wait3A_29 : memref<1x!tpu.dma_semaphore, #tpu.memory_space<semaphore_mem>> -> memref<!tpu.dma_semaphore, #tpu.memory_space<semaphore_mem>>
    %dma_wait3A_31 = arith.constant 0 : i32
    %dma_wait3A_32 = tpu.memref_slice %arg3[%add3A, %dma_wait3A_31] : memref<32x10000xi32, #tpu.memory_space<hbm>> -> memref<1x10000xi32, #tpu.memory_space<hbm>>
    %dma_wait3A_33 = tpu.memref_squeeze %dma_wait3A_32 : memref<1x10000xi32, #tpu.memory_space<hbm>> -> memref<10000xi32, #tpu.memory_space<hbm>>
    tpu.wait_dma2 semaphore(%dma_wait3A_30 : memref<!tpu.dma_semaphore, #tpu.memory_space<semaphore_mem>>) src(%dma_wait3A_33 : memref<10000xi32, #tpu.memory_space<hbm>>) dst(%arg7 : memref<10000xi32, #tpu.memory_space<vmem>>)
    %multiple_of3A_34 = arith.constant 0 : i32
    %multiple_of3A_35 = tpu.assume_multiple %multiple_of3A_34, 8 : i32
    %dma_start3A_36 = arith.constant 0 : i32
    %dma_start3A_37 = arith.constant 0 : i32
    %dma_start3A_38 = arith.constant 0 : i32
    %dma_start3A_39 = tpu.memref_slice %arg9[%dma_start3A_37, %dma_start3A_38] : memref<240x128xf32, #tpu.memory_space<vmem>> -> memref<40x128xf32, #tpu.memory_space<vmem>>
    %dma_start3A_40 = tpu.memref_slice %arg7[%multiple_of3A_35] : memref<10000xi32, #tpu.memory_space<vmem>> -> memref<40xi32, #tpu.memory_space<vmem>>
    %dma_start3A_41 = arith.constant 0 : i32
    %dma_start3A_42 = arith.constant 0 : i32
    %dma_start3A_43 = tpu.memref_slice %arg2[%dma_start3A_41, %dma_start3A_42] : memref<10000x128xf32, #tpu.memory_space<hbm>> -> memref<10000x128xf32, #tpu.memory_space<hbm>>
    %dma_start3A_44 = tpu.memref_slice %arg11[%dma_start3A_36] : memref<6x!tpu.dma_semaphore, #tpu.memory_space<semaphore_mem>> -> memref<1x!tpu.dma_semaphore, #tpu.memory_space<semaphore_mem>>
    %dma_start3A_45 = tpu.memref_squeeze %dma_start3A_44 : memref<1x!tpu.dma_semaphore, #tpu.memory_space<semaphore_mem>> -> memref<!tpu.dma_semaphore, #tpu.memory_space<semaphore_mem>>
    tpu.enqueue_indirect_dma source(%dma_start3A_43 : memref<10000x128xf32, #tpu.memory_space<hbm>>) target(%dma_start3A_39 : memref<40x128xf32, #tpu.memory_space<vmem>>) offsets(%dma_start3A_40 : memref<40xi32, #tpu.memory_space<vmem>>) semaphore(%dma_start3A_45 : memref<!tpu.dma_semaphore, #tpu.memory_space<semaphore_mem>>)
    %multiple_of3A_46 = arith.constant 40 : i32
    %multiple_of3A_47 = tpu.assume_multiple %multiple_of3A_46, 8 : i32
    %dma_start3A_48 = arith.constant 1 : i32
    %dma_start3A_49 = arith.constant 40 : i32
    %dma_start3A_50 = arith.constant 0 : i32
    %dma_start3A_51 = tpu.memref_slice %arg9[%dma_start3A_49, %dma_start3A_50] : memref<240x128xf32, #tpu.memory_space<vmem>> -> memref<40x128xf32, #tpu.memory_space<vmem>>
    %dma_start3A_52 = tpu.memref_slice %arg7[%multiple_of3A_47] : memref<10000xi32, #tpu.memory_space<vmem>> -> memref<40xi32, #tpu.memory_space<vmem>>
    %dma_start3A_53 = arith.constant 0 : i32
    %dma_start3A_54 = arith.constant 0 : i32
    %dma_start3A_55 = tpu.memref_slice %arg2[%dma_start3A_53, %dma_start3A_54] : memref<10000x128xf32, #tpu.memory_space<hbm>> -> memref<10000x128xf32, #tpu.memory_space<hbm>>
    %dma_start3A_56 = tpu.memref_slice %arg11[%dma_start3A_48] : memref<6x!tpu.dma_semaphore, #tpu.memory_space<semaphore_mem>> -> memref<1x!tpu.dma_semaphore, #tpu.memory_space<semaphore_mem>>
    %dma_start3A_57 = tpu.memref_squeeze %dma_start3A_56 : memref<1x!tpu.dma_semaphore, #tpu.memory_space<semaphore_mem>> -> memref<!tpu.dma_semaphore, #tpu.memory_space<semaphore_mem>>
    tpu.enqueue_indirect_dma source(%dma_start3A_55 : memref<10000x128xf32, #tpu.memory_space<hbm>>) target(%dma_start3A_51 : memref<40x128xf32, #tpu.memory_space<vmem>>) offsets(%dma_start3A_52 : memref<40xi32, #tpu.memory_space<vmem>>) semaphore(%dma_start3A_57 : memref<!tpu.dma_semaphore, #tpu.memory_space<semaphore_mem>>)
    %multiple_of3A_58 = arith.constant 80 : i32
    %multiple_of3A_59 = tpu.assume_multiple %multiple_of3A_58, 8 : i32
    %dma_start3A_60 = arith.constant 2 : i32
    %dma_start3A_61 = arith.constant 80 : i32
    %dma_start3A_62 = arith.constant 0 : i32
    %dma_start3A_63 = tpu.memref_slice %arg9[%dma_start3A_61, %dma_start3A_62] : memref<240x128xf32, #tpu.memory_space<vmem>> -> memref<40x128xf32, #tpu.memory_space<vmem>>
    %dma_start3A_64 = tpu.memref_slice %arg7[%multiple_of3A_59] : memref<10000xi32, #tpu.memory_space<vmem>> -> memref<40xi32, #tpu.memory_space<vmem>>
    %dma_start3A_65 = arith.constant 0 : i32
    %dma_start3A_66 = arith.constant 0 : i32
    %dma_start3A_67 = tpu.memref_slice %arg2[%dma_start3A_65, %dma_start3A_66] : memref<10000x128xf32, #tpu.memory_space<hbm>> -> memref<10000x128xf32, #tpu.memory_space<hbm>>
    %dma_start3A_68 = tpu.memref_slice %arg11[%dma_start3A_60] : memref<6x!tpu.dma_semaphore, #tpu.memory_space<semaphore_mem>> -> memref<1x!tpu.dma_semaphore, #tpu.memory_space<semaphore_mem>>
    %dma_start3A_69 = tpu.memref_squeeze %dma_start3A_68 : memref<1x!tpu.dma_semaphore, #tpu.memory_space<semaphore_mem>> -> memref<!tpu.dma_semaphore, #tpu.memory_space<semaphore_mem>>
    tpu.enqueue_indirect_dma source(%dma_start3A_67 : memref<10000x128xf32, #tpu.memory_space<hbm>>) target(%dma_start3A_63 : memref<40x128xf32, #tpu.memory_space<vmem>>) offsets(%dma_start3A_64 : memref<40xi32, #tpu.memory_space<vmem>>) semaphore(%dma_start3A_69 : memref<!tpu.dma_semaphore, #tpu.memory_space<semaphore_mem>>)
    %multiple_of3A_70 = arith.constant 120 : i32
    %multiple_of3A_71 = tpu.assume_multiple %multiple_of3A_70, 8 : i32
    %dma_start3A_72 = arith.constant 3 : i32
    %dma_start3A_73 = arith.constant 120 : i32
    %dma_start3A_74 = arith.constant 0 : i32
    %dma_start3A_75 = tpu.memref_slice %arg9[%dma_start3A_73, %dma_start3A_74] : memref<240x128xf32, #tpu.memory_space<vmem>> -> memref<40x128xf32, #tpu.memory_space<vmem>>
    %dma_start3A_76 = tpu.memref_slice %arg7[%multiple_of3A_71] : memref<10000xi32, #tpu.memory_space<vmem>> -> memref<40xi32, #tpu.memory_space<vmem>>
    %dma_start3A_77 = arith.constant 0 : i32
    %dma_start3A_78 = arith.constant 0 : i32
    %dma_start3A_79 = tpu.memref_slice %arg2[%dma_start3A_77, %dma_start3A_78] : memref<10000x128xf32, #tpu.memory_space<hbm>> -> memref<10000x128xf32, #tpu.memory_space<hbm>>
    %dma_start3A_80 = tpu.memref_slice %arg11[%dma_start3A_72] : memref<6x!tpu.dma_semaphore, #tpu.memory_space<semaphore_mem>> -> memref<1x!tpu.dma_semaphore, #tpu.memory_space<semaphore_mem>>
    %dma_start3A_81 = tpu.memref_squeeze %dma_start3A_80 : memref<1x!tpu.dma_semaphore, #tpu.memory_space<semaphore_mem>> -> memref<!tpu.dma_semaphore, #tpu.memory_space<semaphore_mem>>
    tpu.enqueue_indirect_dma source(%dma_start3A_79 : memref<10000x128xf32, #tpu.memory_space<hbm>>) target(%dma_start3A_75 : memref<40x128xf32, #tpu.memory_space<vmem>>) offsets(%dma_start3A_76 : memref<40xi32, #tpu.memory_space<vmem>>) semaphore(%dma_start3A_81 : memref<!tpu.dma_semaphore, #tpu.memory_space<semaphore_mem>>)
    %dma_wait3A_82 = arith.constant 1 : i32
    %dma_wait3A_83 = arith.constant 0 : i32
    %dma_wait3A_84 = tpu.memref_slice %arg4[%add3A, %dma_wait3A_83] : memref<32x10000xi32, #tpu.memory_space<hbm>> -> memref<1x10000xi32, #tpu.memory_space<hbm>>
    %dma_wait3A_85 = tpu.memref_squeeze %dma_wait3A_84 : memref<1x10000xi32, #tpu.memory_space<hbm>> -> memref<10000xi32, #tpu.memory_space<hbm>>
    %dma_wait3A_86 = tpu.memref_slice %arg13[%dma_wait3A_82] : memref<3x!tpu.dma_semaphore, #tpu.memory_space<semaphore_mem>> -> memref<1x!tpu.dma_semaphore, #tpu.memory_space<semaphore_mem>>
    %dma_wait3A_87 = tpu.memref_squeeze %dma_wait3A_86 : memref<1x!tpu.dma_semaphore, #tpu.memory_space<semaphore_mem>> -> memref<!tpu.dma_semaphore, #tpu.memory_space<semaphore_mem>>
    %dma_wait3A_88 = arith.constant 0 : i32
    %dma_wait3A_89 = tpu.memref_slice %arg4[%add3A, %dma_wait3A_88] : memref<32x10000xi32, #tpu.memory_space<hbm>> -> memref<1x10000xi32, #tpu.memory_space<hbm>>
    %dma_wait3A_90 = tpu.memref_squeeze %dma_wait3A_89 : memref<1x10000xi32, #tpu.memory_space<hbm>> -> memref<10000xi32, #tpu.memory_space<hbm>>
    tpu.wait_dma2 semaphore(%dma_wait3A_87 : memref<!tpu.dma_semaphore, #tpu.memory_space<semaphore_mem>>) src(%dma_wait3A_90 : memref<10000xi32, #tpu.memory_space<hbm>>) dst(%arg8 : memref<10000xi32, #tpu.memory_space<vmem>>)
    %lt3A_91 = arith.constant 15 : i32
    %lt3A_92 = arith.cmpi slt, %arg1, %lt3A_91 : i32
    %convert_element_type3A_93 = arith.extui %lt3A_92 : i1 to i32
    %cond3A_94 = arith.constant 0 : i32
    %cond3A_95 = arith.cmpi ne, %convert_element_type3A_93, %cond3A_94 : i32
    scf.if %cond3A_95 {
      %dma_wait3A_190 = arith.constant 2 : i32
      %dma_wait3A_191 = tpu.memref_slice %arg13[%dma_wait3A_190] : memref<3x!tpu.dma_semaphore, #tpu.memory_space<semaphore_mem>> -> memref<1x!tpu.dma_semaphore, #tpu.memory_space<semaphore_mem>>
      %dma_wait3A_192 = tpu.memref_squeeze %dma_wait3A_191 : memref<1x!tpu.dma_semaphore, #tpu.memory_space<semaphore_mem>> -> memref<!tpu.dma_semaphore, #tpu.memory_space<semaphore_mem>>
      %dma_wait3A_193 = arith.constant 0 : i32
      %dma_wait3A_194 = tpu.memref_slice %arg10[%multiple_of3A, %dma_wait3A_193] : memref<10000x128xf32, #tpu.memory_space<vmem_shared>> -> memref<632x128xf32, #tpu.memory_space<vmem_shared>>
      %dma_wait3A_195 = arith.constant 0 : i32
      %dma_wait3A_196 = tpu.memref_slice %arg5[%multiple_of3A, %dma_wait3A_195] : memref<10000x128xf32, #tpu.memory_space<hbm>> -> memref<632x128xf32, #tpu.memory_space<hbm>>
      tpu.wait_dma2 semaphore(%dma_wait3A_192 : memref<!tpu.dma_semaphore, #tpu.memory_space<semaphore_mem>>) src(%dma_wait3A_196 : memref<632x128xf32, #tpu.memory_space<hbm>>) dst(%dma_wait3A_194 : memref<632x128xf32, #tpu.memory_space<vmem_shared>>)
    } else {
    }
    %eq3A_96 = arith.constant 15 : i32
    %eq3A_97 = arith.cmpi eq, %arg1, %eq3A_96 : i32
    %convert_element_type3A_98 = arith.extui %eq3A_97 : i1 to i32
    %cond3A_99 = arith.constant 0 : i32
    %cond3A_100 = arith.cmpi ne, %convert_element_type3A_98, %cond3A_99 : i32
    scf.if %cond3A_100 {
      %dma_wait3A_190 = arith.constant 2 : i32
      %dma_wait3A_191 = tpu.memref_slice %arg13[%dma_wait3A_190] : memref<3x!tpu.dma_semaphore, #tpu.memory_space<semaphore_mem>> -> memref<1x!tpu.dma_semaphore, #tpu.memory_space<semaphore_mem>>
      %dma_wait3A_192 = tpu.memref_squeeze %dma_wait3A_191 : memref<1x!tpu.dma_semaphore, #tpu.memory_space<semaphore_mem>> -> memref<!tpu.dma_semaphore, #tpu.memory_space<semaphore_mem>>
      %dma_wait3A_193 = arith.constant 9480 : i32
      %dma_wait3A_194 = arith.constant 0 : i32
      %dma_wait3A_195 = tpu.memref_slice %arg10[%dma_wait3A_193, %dma_wait3A_194] : memref<10000x128xf32, #tpu.memory_space<vmem_shared>> -> memref<520x128xf32, #tpu.memory_space<vmem_shared>>
      %dma_wait3A_196 = arith.constant 9480 : i32
      %dma_wait3A_197 = arith.constant 0 : i32
      %dma_wait3A_198 = tpu.memref_slice %arg5[%dma_wait3A_196, %dma_wait3A_197] : memref<10000x128xf32, #tpu.memory_space<hbm>> -> memref<520x128xf32, #tpu.memory_space<hbm>>
      tpu.wait_dma2 semaphore(%dma_wait3A_192 : memref<!tpu.dma_semaphore, #tpu.memory_space<semaphore_mem>>) src(%dma_wait3A_198 : memref<520x128xf32, #tpu.memory_space<hbm>>) dst(%dma_wait3A_195 : memref<520x128xf32, #tpu.memory_space<vmem_shared>>)
    } else {
    }
    %barrier3A = arith.constant 0 : index
    tpu.barrier barrier_id(%barrier3A)
    %scan3A = arith.constant 0 : i32
    %scan3A_101 = arith.constant 0 : i32
    %scan3A_102 = arith.constant 250 : i32
    %scan3A_103 = arith.addi %scan3A_101, %scan3A_102 : i32
    %scan3A_104 = arith.constant 1 : i32
    %scan3A_105 = scf.for %scan3A_190 = %scan3A_101 to %scan3A_103 step %scan3A_104 iter_args(%scan3A_191 = %scan3A) -> (i32)  : i32 {
      %rem3A = arith.constant 6 : i32
      %rem3A_192 = arith.remsi %scan3A_190, %rem3A : i32
      %mul3A_193 = arith.constant 40 : i32
      %mul3A_194 = arith.muli %scan3A_190, %mul3A_193 : i32
      %multiple_of3A_195 = tpu.assume_multiple %mul3A_194, 8 : i32
      %mul3A_196 = arith.constant 40 : i32
      %mul3A_197 = arith.muli %rem3A_192, %mul3A_196 : i32
      %dma_wait3A_198 = arith.constant 0 : i32
      %dma_wait3A_199 = tpu.memref_slice %arg9[%mul3A_197, %dma_wait3A_198] : memref<240x128xf32, #tpu.memory_space<vmem>> -> memref<40x128xf32, #tpu.memory_space<vmem>>
      %dma_wait3A_200 = tpu.memref_slice %arg7[%multiple_of3A_195] : memref<10000xi32, #tpu.memory_space<vmem>> -> memref<40xi32, #tpu.memory_space<vmem>>
      %dma_wait3A_201 = arith.constant 0 : i32
      %dma_wait3A_202 = arith.constant 0 : i32
      %dma_wait3A_203 = tpu.memref_slice %arg2[%dma_wait3A_201, %dma_wait3A_202] : memref<10000x128xf32, #tpu.memory_space<hbm>> -> memref<10000x128xf32, #tpu.memory_space<hbm>>
      %dma_wait3A_204 = tpu.memref_slice %arg11[%rem3A_192] : memref<6x!tpu.dma_semaphore, #tpu.memory_space<semaphore_mem>> -> memref<1x!tpu.dma_semaphore, #tpu.memory_space<semaphore_mem>>
      %dma_wait3A_205 = tpu.memref_squeeze %dma_wait3A_204 : memref<1x!tpu.dma_semaphore, #tpu.memory_space<semaphore_mem>> -> memref<!tpu.dma_semaphore, #tpu.memory_space<semaphore_mem>>
      tpu.wait_indirect_dma semaphore(%dma_wait3A_205 : memref<!tpu.dma_semaphore, #tpu.memory_space<semaphore_mem>>) src(%dma_wait3A_203 : memref<10000x128xf32, #tpu.memory_space<hbm>>) dst(%dma_wait3A_199 : memref<40x128xf32, #tpu.memory_space<vmem>>)
      %mul3A_206 = arith.constant 40 : i32
      %mul3A_207 = arith.muli %scan3A_190, %mul3A_206 : i32
      %multiple_of3A_208 = tpu.assume_multiple %mul3A_207, 8 : i32
      %mul3A_209 = arith.constant 40 : i32
      %mul3A_210 = arith.muli %rem3A_192, %mul3A_209 : i32
      %dma_start3A_211 = arith.constant 0 : i32
      %dma_start3A_212 = tpu.memref_slice %arg9[%mul3A_210, %dma_start3A_211] : memref<240x128xf32, #tpu.memory_space<vmem>> -> memref<40x128xf32, #tpu.memory_space<vmem>>
      %dma_start3A_213 = tpu.memref_slice %arg8[%multiple_of3A_208] : memref<10000xi32, #tpu.memory_space<vmem>> -> memref<40xi32, #tpu.memory_space<vmem>>
      %dma_start3A_214 = arith.constant 0 : i32
      %dma_start3A_215 = arith.constant 0 : i32
      %dma_start3A_216 = tpu.memref_slice %arg10[%dma_start3A_214, %dma_start3A_215] : memref<10000x128xf32, #tpu.memory_space<vmem_shared>> -> memref<10000x128xf32, #tpu.memory_space<vmem_shared>>
      %dma_start3A_217 = tpu.memref_slice %arg12[%rem3A_192] : memref<6x!tpu.dma_semaphore, #tpu.memory_space<semaphore_mem>> -> memref<1x!tpu.dma_semaphore, #tpu.memory_space<semaphore_mem>>
      %dma_start3A_218 = tpu.memref_squeeze %dma_start3A_217 : memref<1x!tpu.dma_semaphore, #tpu.memory_space<semaphore_mem>> -> memref<!tpu.dma_semaphore, #tpu.memory_space<semaphore_mem>>
      tpu.enqueue_indirect_dma source(%dma_start3A_212 : memref<40x128xf32, #tpu.memory_space<vmem>>) target(%dma_start3A_216 : memref<10000x128xf32, #tpu.memory_space<vmem_shared>>) offsets(%dma_start3A_213 : memref<40xi32, #tpu.memory_space<vmem>>) semaphore(%dma_start3A_218 : memref<!tpu.dma_semaphore, #tpu.memory_space<semaphore_mem>>) {add = true}
      %add3A_219 = arith.constant 4 : i32
      %add3A_220 = arith.addi %scan3A_190, %add3A_219 : i32
      %rem3A_221 = arith.constant 6 : i32
      %rem3A_222 = arith.remsi %add3A_220, %rem3A_221 : i32
      %lt3A_223 = arith.constant 250 : i32
      %lt3A_224 = arith.cmpi slt, %add3A_220, %lt3A_223 : i32
      %convert_element_type3A_225 = arith.extui %lt3A_224 : i1 to i32
      %cond3A_226 = arith.constant 0 : i32
      %cond3A_227 = arith.cmpi ne, %convert_element_type3A_225, %cond3A_226 : i32
      scf.if %cond3A_227 {
        %ge3A = arith.constant 6 : i32
        %ge3A_229 = arith.cmpi sge, %add3A_220, %ge3A : i32
        %convert_element_type3A_230 = arith.extui %ge3A_229 : i1 to i32
        %cond3A_231 = arith.constant 0 : i32
        %cond3A_232 = arith.cmpi ne, %convert_element_type3A_230, %cond3A_231 : i32
        scf.if %cond3A_232 {
          %sub3A = arith.constant 6 : i32
          %sub3A_246 = arith.subi %add3A_220, %sub3A : i32
          %mul3A_247 = arith.constant 40 : i32
          %mul3A_248 = arith.muli %sub3A_246, %mul3A_247 : i32
          %multiple_of3A_249 = tpu.assume_multiple %mul3A_248, 8 : i32
          %mul3A_250 = arith.constant 40 : i32
          %mul3A_251 = arith.muli %rem3A_222, %mul3A_250 : i32
          %dma_wait3A_252 = arith.constant 0 : i32
          %dma_wait3A_253 = tpu.memref_slice %arg9[%mul3A_251, %dma_wait3A_252] : memref<240x128xf32, #tpu.memory_space<vmem>> -> memref<40x128xf32, #tpu.memory_space<vmem>>
          %dma_wait3A_254 = tpu.memref_slice %arg8[%multiple_of3A_249] : memref<10000xi32, #tpu.memory_space<vmem>> -> memref<40xi32, #tpu.memory_space<vmem>>
          %dma_wait3A_255 = arith.constant 0 : i32
          %dma_wait3A_256 = arith.constant 0 : i32
          %dma_wait3A_257 = tpu.memref_slice %arg10[%dma_wait3A_255, %dma_wait3A_256] : memref<10000x128xf32, #tpu.memory_space<vmem_shared>> -> memref<10000x128xf32, #tpu.memory_space<vmem_shared>>
          %dma_wait3A_258 = tpu.memref_slice %arg12[%rem3A_222] : memref<6x!tpu.dma_semaphore, #tpu.memory_space<semaphore_mem>> -> memref<1x!tpu.dma_semaphore, #tpu.memory_space<semaphore_mem>>
          %dma_wait3A_259 = tpu.memref_squeeze %dma_wait3A_258 : memref<1x!tpu.dma_semaphore, #tpu.memory_space<semaphore_mem>> -> memref<!tpu.dma_semaphore, #tpu.memory_space<semaphore_mem>>
          tpu.wait_indirect_dma semaphore(%dma_wait3A_259 : memref<!tpu.dma_semaphore, #tpu.memory_space<semaphore_mem>>) src(%dma_wait3A_253 : memref<40x128xf32, #tpu.memory_space<vmem>>) dst(%dma_wait3A_257 : memref<10000x128xf32, #tpu.memory_space<vmem_shared>>)
        } else {
        }
        %mul3A_233 = arith.constant 40 : i32
        %mul3A_234 = arith.muli %add3A_220, %mul3A_233 : i32
        %multiple_of3A_235 = tpu.assume_multiple %mul3A_234, 8 : i32
        %mul3A_236 = arith.constant 40 : i32
        %mul3A_237 = arith.muli %rem3A_222, %mul3A_236 : i32
        %dma_start3A_238 = arith.constant 0 : i32
        %dma_start3A_239 = tpu.memref_slice %arg9[%mul3A_237, %dma_start3A_238] : memref<240x128xf32, #tpu.memory_space<vmem>> -> memref<40x128xf32, #tpu.memory_space<vmem>>
        %dma_start3A_240 = tpu.memref_slice %arg7[%multiple_of3A_235] : memref<10000xi32, #tpu.memory_space<vmem>> -> memref<40xi32, #tpu.memory_space<vmem>>
        %dma_start3A_241 = arith.constant 0 : i32
        %dma_start3A_242 = arith.constant 0 : i32
        %dma_start3A_243 = tpu.memref_slice %arg2[%dma_start3A_241, %dma_start3A_242] : memref<10000x128xf32, #tpu.memory_space<hbm>> -> memref<10000x128xf32, #tpu.memory_space<hbm>>
        %dma_start3A_244 = tpu.memref_slice %arg11[%rem3A_222] : memref<6x!tpu.dma_semaphore, #tpu.memory_space<semaphore_mem>> -> memref<1x!tpu.dma_semaphore, #tpu.memory_space<semaphore_mem>>
        %dma_start3A_245 = tpu.memref_squeeze %dma_start3A_244 : memref<1x!tpu.dma_semaphore, #tpu.memory_space<semaphore_mem>> -> memref<!tpu.dma_semaphore, #tpu.memory_space<semaphore_mem>>
        tpu.enqueue_indirect_dma source(%dma_start3A_243 : memref<10000x128xf32, #tpu.memory_space<hbm>>) target(%dma_start3A_239 : memref<40x128xf32, #tpu.memory_space<vmem>>) offsets(%dma_start3A_240 : memref<40xi32, #tpu.memory_space<vmem>>) semaphore(%dma_start3A_245 : memref<!tpu.dma_semaphore, #tpu.memory_space<semaphore_mem>>)
      } else {
      }
      %scan3A_228 = arith.constant 0 : i32
      scf.yield %scan3A_228 : i32
    }
    %scan3A_106 = arith.constant 250 : i32
    %multiple_of3A_107 = arith.constant 9760 : i32
    %multiple_of3A_108 = tpu.assume_multiple %multiple_of3A_107, 8 : i32
    %dma_wait3A_109 = arith.constant 4 : i32
    %dma_wait3A_110 = arith.constant 160 : i32
    %dma_wait3A_111 = arith.constant 0 : i32
    %dma_wait3A_112 = tpu.memref_slice %arg9[%dma_wait3A_110, %dma_wait3A_111] : memref<240x128xf32, #tpu.memory_space<vmem>> -> memref<40x128xf32, #tpu.memory_space<vmem>>
    %dma_wait3A_113 = tpu.memref_slice %arg8[%multiple_of3A_108] : memref<10000xi32, #tpu.memory_space<vmem>> -> memref<40xi32, #tpu.memory_space<vmem>>
    %dma_wait3A_114 = arith.constant 0 : i32
    %dma_wait3A_115 = arith.constant 0 : i32
    %dma_wait3A_116 = tpu.memref_slice %arg10[%dma_wait3A_114, %dma_wait3A_115] : memref<10000x128xf32, #tpu.memory_space<vmem_shared>> -> memref<10000x128xf32, #tpu.memory_space<vmem_shared>>
    %dma_wait3A_117 = tpu.memref_slice %arg12[%dma_wait3A_109] : memref<6x!tpu.dma_semaphore, #tpu.memory_space<semaphore_mem>> -> memref<1x!tpu.dma_semaphore, #tpu.memory_space<semaphore_mem>>
    %dma_wait3A_118 = tpu.memref_squeeze %dma_wait3A_117 : memref<1x!tpu.dma_semaphore, #tpu.memory_space<semaphore_mem>> -> memref<!tpu.dma_semaphore, #tpu.memory_space<semaphore_mem>>
    tpu.wait_indirect_dma semaphore(%dma_wait3A_118 : memref<!tpu.dma_semaphore, #tpu.memory_space<semaphore_mem>>) src(%dma_wait3A_112 : memref<40x128xf32, #tpu.memory_space<vmem>>) dst(%dma_wait3A_116 : memref<10000x128xf32, #tpu.memory_space<vmem_shared>>)
    %multiple_of3A_119 = arith.constant 9800 : i32
    %multiple_of3A_120 = tpu.assume_multiple %multiple_of3A_119, 8 : i32
    %dma_wait3A_121 = arith.constant 5 : i32
    %dma_wait3A_122 = arith.constant 200 : i32
    %dma_wait3A_123 = arith.constant 0 : i32
    %dma_wait3A_124 = tpu.memref_slice %arg9[%dma_wait3A_122, %dma_wait3A_123] : memref<240x128xf32, #tpu.memory_space<vmem>> -> memref<40x128xf32, #tpu.memory_space<vmem>>
    %dma_wait3A_125 = tpu.memref_slice %arg8[%multiple_of3A_120] : memref<10000xi32, #tpu.memory_space<vmem>> -> memref<40xi32, #tpu.memory_space<vmem>>
    %dma_wait3A_126 = arith.constant 0 : i32
    %dma_wait3A_127 = arith.constant 0 : i32
    %dma_wait3A_128 = tpu.memref_slice %arg10[%dma_wait3A_126, %dma_wait3A_127] : memref<10000x128xf32, #tpu.memory_space<vmem_shared>> -> memref<10000x128xf32, #tpu.memory_space<vmem_shared>>
    %dma_wait3A_129 = tpu.memref_slice %arg12[%dma_wait3A_121] : memref<6x!tpu.dma_semaphore, #tpu.memory_space<semaphore_mem>> -> memref<1x!tpu.dma_semaphore, #tpu.memory_space<semaphore_mem>>
    %dma_wait3A_130 = tpu.memref_squeeze %dma_wait3A_129 : memref<1x!tpu.dma_semaphore, #tpu.memory_space<semaphore_mem>> -> memref<!tpu.dma_semaphore, #tpu.memory_space<semaphore_mem>>
    tpu.wait_indirect_dma semaphore(%dma_wait3A_130 : memref<!tpu.dma_semaphore, #tpu.memory_space<semaphore_mem>>) src(%dma_wait3A_124 : memref<40x128xf32, #tpu.memory_space<vmem>>) dst(%dma_wait3A_128 : memref<10000x128xf32, #tpu.memory_space<vmem_shared>>)
    %multiple_of3A_131 = arith.constant 9840 : i32
    %multiple_of3A_132 = tpu.assume_multiple %multiple_of3A_131, 8 : i32
    %dma_wait3A_133 = arith.constant 0 : i32
    %dma_wait3A_134 = arith.constant 0 : i32
    %dma_wait3A_135 = arith.constant 0 : i32
    %dma_wait3A_136 = tpu.memref_slice %arg9[%dma_wait3A_134, %dma_wait3A_135] : memref<240x128xf32, #tpu.memory_space<vmem>> -> memref<40x128xf32, #tpu.memory_space<vmem>>
    %dma_wait3A_137 = tpu.memref_slice %arg8[%multiple_of3A_132] : memref<10000xi32, #tpu.memory_space<vmem>> -> memref<40xi32, #tpu.memory_space<vmem>>
    %dma_wait3A_138 = arith.constant 0 : i32
    %dma_wait3A_139 = arith.constant 0 : i32
    %dma_wait3A_140 = tpu.memref_slice %arg10[%dma_wait3A_138, %dma_wait3A_139] : memref<10000x128xf32, #tpu.memory_space<vmem_shared>> -> memref<10000x128xf32, #tpu.memory_space<vmem_shared>>
    %dma_wait3A_141 = tpu.memref_slice %arg12[%dma_wait3A_133] : memref<6x!tpu.dma_semaphore, #tpu.memory_space<semaphore_mem>> -> memref<1x!tpu.dma_semaphore, #tpu.memory_space<semaphore_mem>>
    %dma_wait3A_142 = tpu.memref_squeeze %dma_wait3A_141 : memref<1x!tpu.dma_semaphore, #tpu.memory_space<semaphore_mem>> -> memref<!tpu.dma_semaphore, #tpu.memory_space<semaphore_mem>>
    tpu.wait_indirect_dma semaphore(%dma_wait3A_142 : memref<!tpu.dma_semaphore, #tpu.memory_space<semaphore_mem>>) src(%dma_wait3A_136 : memref<40x128xf32, #tpu.memory_space<vmem>>) dst(%dma_wait3A_140 : memref<10000x128xf32, #tpu.memory_space<vmem_shared>>)
    %multiple_of3A_143 = arith.constant 9880 : i32
    %multiple_of3A_144 = tpu.assume_multiple %multiple_of3A_143, 8 : i32
    %dma_wait3A_145 = arith.constant 1 : i32
    %dma_wait3A_146 = arith.constant 40 : i32
    %dma_wait3A_147 = arith.constant 0 : i32
    %dma_wait3A_148 = tpu.memref_slice %arg9[%dma_wait3A_146, %dma_wait3A_147] : memref<240x128xf32, #tpu.memory_space<vmem>> -> memref<40x128xf32, #tpu.memory_space<vmem>>
    %dma_wait3A_149 = tpu.memref_slice %arg8[%multiple_of3A_144] : memref<10000xi32, #tpu.memory_space<vmem>> -> memref<40xi32, #tpu.memory_space<vmem>>
    %dma_wait3A_150 = arith.constant 0 : i32
    %dma_wait3A_151 = arith.constant 0 : i32
    %dma_wait3A_152 = tpu.memref_slice %arg10[%dma_wait3A_150, %dma_wait3A_151] : memref<10000x128xf32, #tpu.memory_space<vmem_shared>> -> memref<10000x128xf32, #tpu.memory_space<vmem_shared>>
    %dma_wait3A_153 = tpu.memref_slice %arg12[%dma_wait3A_145] : memref<6x!tpu.dma_semaphore, #tpu.memory_space<semaphore_mem>> -> memref<1x!tpu.dma_semaphore, #tpu.memory_space<semaphore_mem>>
    %dma_wait3A_154 = tpu.memref_squeeze %dma_wait3A_153 : memref<1x!tpu.dma_semaphore, #tpu.memory_space<semaphore_mem>> -> memref<!tpu.dma_semaphore, #tpu.memory_space<semaphore_mem>>
    tpu.wait_indirect_dma semaphore(%dma_wait3A_154 : memref<!tpu.dma_semaphore, #tpu.memory_space<semaphore_mem>>) src(%dma_wait3A_148 : memref<40x128xf32, #tpu.memory_space<vmem>>) dst(%dma_wait3A_152 : memref<10000x128xf32, #tpu.memory_space<vmem_shared>>)
    %multiple_of3A_155 = arith.constant 9920 : i32
    %multiple_of3A_156 = tpu.assume_multiple %multiple_of3A_155, 8 : i32
    %dma_wait3A_157 = arith.constant 2 : i32
    %dma_wait3A_158 = arith.constant 80 : i32
    %dma_wait3A_159 = arith.constant 0 : i32
    %dma_wait3A_160 = tpu.memref_slice %arg9[%dma_wait3A_158, %dma_wait3A_159] : memref<240x128xf32, #tpu.memory_space<vmem>> -> memref<40x128xf32, #tpu.memory_space<vmem>>
    %dma_wait3A_161 = tpu.memref_slice %arg8[%multiple_of3A_156] : memref<10000xi32, #tpu.memory_space<vmem>> -> memref<40xi32, #tpu.memory_space<vmem>>
    %dma_wait3A_162 = arith.constant 0 : i32
    %dma_wait3A_163 = arith.constant 0 : i32
    %dma_wait3A_164 = tpu.memref_slice %arg10[%dma_wait3A_162, %dma_wait3A_163] : memref<10000x128xf32, #tpu.memory_space<vmem_shared>> -> memref<10000x128xf32, #tpu.memory_space<vmem_shared>>
    %dma_wait3A_165 = tpu.memref_slice %arg12[%dma_wait3A_157] : memref<6x!tpu.dma_semaphore, #tpu.memory_space<semaphore_mem>> -> memref<1x!tpu.dma_semaphore, #tpu.memory_space<semaphore_mem>>
    %dma_wait3A_166 = tpu.memref_squeeze %dma_wait3A_165 : memref<1x!tpu.dma_semaphore, #tpu.memory_space<semaphore_mem>> -> memref<!tpu.dma_semaphore, #tpu.memory_space<semaphore_mem>>
    tpu.wait_indirect_dma semaphore(%dma_wait3A_166 : memref<!tpu.dma_semaphore, #tpu.memory_space<semaphore_mem>>) src(%dma_wait3A_160 : memref<40x128xf32, #tpu.memory_space<vmem>>) dst(%dma_wait3A_164 : memref<10000x128xf32, #tpu.memory_space<vmem_shared>>)
    %multiple_of3A_167 = arith.constant 9960 : i32
    %multiple_of3A_168 = tpu.assume_multiple %multiple_of3A_167, 8 : i32
    %dma_wait3A_169 = arith.constant 3 : i32
    %dma_wait3A_170 = arith.constant 120 : i32
    %dma_wait3A_171 = arith.constant 0 : i32
    %dma_wait3A_172 = tpu.memref_slice %arg9[%dma_wait3A_170, %dma_wait3A_171] : memref<240x128xf32, #tpu.memory_space<vmem>> -> memref<40x128xf32, #tpu.memory_space<vmem>>
    %dma_wait3A_173 = tpu.memref_slice %arg8[%multiple_of3A_168] : memref<10000xi32, #tpu.memory_space<vmem>> -> memref<40xi32, #tpu.memory_space<vmem>>
    %dma_wait3A_174 = arith.constant 0 : i32
    %dma_wait3A_175 = arith.constant 0 : i32
    %dma_wait3A_176 = tpu.memref_slice %arg10[%dma_wait3A_174, %dma_wait3A_175] : memref<10000x128xf32, #tpu.memory_space<vmem_shared>> -> memref<10000x128xf32, #tpu.memory_space<vmem_shared>>
    %dma_wait3A_177 = tpu.memref_slice %arg12[%dma_wait3A_169] : memref<6x!tpu.dma_semaphore, #tpu.memory_space<semaphore_mem>> -> memref<1x!tpu.dma_semaphore, #tpu.memory_space<semaphore_mem>>
    %dma_wait3A_178 = tpu.memref_squeeze %dma_wait3A_177 : memref<1x!tpu.dma_semaphore, #tpu.memory_space<semaphore_mem>> -> memref<!tpu.dma_semaphore, #tpu.memory_space<semaphore_mem>>
    tpu.wait_indirect_dma semaphore(%dma_wait3A_178 : memref<!tpu.dma_semaphore, #tpu.memory_space<semaphore_mem>>) src(%dma_wait3A_172 : memref<40x128xf32, #tpu.memory_space<vmem>>) dst(%dma_wait3A_176 : memref<10000x128xf32, #tpu.memory_space<vmem_shared>>)
    %barrier3A_179 = arith.constant 0 : index
    tpu.barrier barrier_id(%barrier3A_179)
    %lt3A_180 = arith.constant 15 : i32
    %lt3A_181 = arith.cmpi slt, %arg1, %lt3A_180 : i32
    %convert_element_type3A_182 = arith.extui %lt3A_181 : i1 to i32
    %cond3A_183 = arith.constant 0 : i32
    %cond3A_184 = arith.cmpi ne, %convert_element_type3A_182, %cond3A_183 : i32
    scf.if %cond3A_184 {
      "tpu.region"() ({
        %run_scoped3A = tpu.sem_alloc : memref<!tpu.dma_semaphore, #tpu.memory_space<semaphore_mem>>
        %dma_start3A_190 = arith.constant 0 : i32
        %dma_start3A_191 = tpu.memref_slice %arg6[%arg0, %multiple_of3A, %dma_start3A_190] : memref<2x10000x128xf32, #tpu.memory_space<hbm>> -> memref<1x632x128xf32, #tpu.memory_space<hbm>>
        %dma_start3A_192 = tpu.memref_squeeze %dma_start3A_191 : memref<1x632x128xf32, #tpu.memory_space<hbm>> -> memref<632x128xf32, #tpu.memory_space<hbm>>
        %dma_start3A_193 = arith.constant 0 : i32
        %dma_start3A_194 = tpu.memref_slice %arg10[%multiple_of3A, %dma_start3A_193] : memref<10000x128xf32, #tpu.memory_space<vmem_shared>> -> memref<632x128xf32, #tpu.memory_space<vmem_shared>>
        tpu.enqueue_dma source(%dma_start3A_194 : memref<632x128xf32, #tpu.memory_space<vmem_shared>>) target(%dma_start3A_192 : memref<632x128xf32, #tpu.memory_space<hbm>>) target_semaphore(%run_scoped3A : memref<!tpu.dma_semaphore, #tpu.memory_space<semaphore_mem>>)
        %dma_wait3A_195 = arith.constant 0 : i32
        %dma_wait3A_196 = tpu.memref_slice %arg6[%arg0, %multiple_of3A, %dma_wait3A_195] : memref<2x10000x128xf32, #tpu.memory_space<hbm>> -> memref<1x632x128xf32, #tpu.memory_space<hbm>>
        %dma_wait3A_197 = tpu.memref_squeeze %dma_wait3A_196 : memref<1x632x128xf32, #tpu.memory_space<hbm>> -> memref<632x128xf32, #tpu.memory_space<hbm>>
        %dma_wait3A_198 = arith.constant 0 : i32
        %dma_wait3A_199 = tpu.memref_slice %arg10[%multiple_of3A, %dma_wait3A_198] : memref<10000x128xf32, #tpu.memory_space<vmem_shared>> -> memref<632x128xf32, #tpu.memory_space<vmem_shared>>
        tpu.wait_dma2 semaphore(%run_scoped3A : memref<!tpu.dma_semaphore, #tpu.memory_space<semaphore_mem>>) src(%dma_wait3A_199 : memref<632x128xf32, #tpu.memory_space<vmem_shared>>) dst(%dma_wait3A_197 : memref<632x128xf32, #tpu.memory_space<hbm>>)
        tpu.yield
      }) : () -> ()
    } else {
    }
    %eq3A_185 = arith.constant 15 : i32
    %eq3A_186 = arith.cmpi eq, %arg1, %eq3A_185 : i32
    %convert_element_type3A_187 = arith.extui %eq3A_186 : i1 to i32
    %cond3A_188 = arith.constant 0 : i32
    %cond3A_189 = arith.cmpi ne, %convert_element_type3A_187, %cond3A_188 : i32
    scf.if %cond3A_189 {
      "tpu.region"() ({
        %run_scoped3A = tpu.sem_alloc : memref<!tpu.dma_semaphore, #tpu.memory_space<semaphore_mem>>
        %dma_start3A_190 = arith.constant 9480 : i32
        %dma_start3A_191 = arith.constant 0 : i32
        %dma_start3A_192 = tpu.memref_slice %arg6[%arg0, %dma_start3A_190, %dma_start3A_191] : memref<2x10000x128xf32, #tpu.memory_space<hbm>> -> memref<1x520x128xf32, #tpu.memory_space<hbm>>
        %dma_start3A_193 = tpu.memref_squeeze %dma_start3A_192 : memref<1x520x128xf32, #tpu.memory_space<hbm>> -> memref<520x128xf32, #tpu.memory_space<hbm>>
        %dma_start3A_194 = arith.constant 9480 : i32
        %dma_start3A_195 = arith.constant 0 : i32
        %dma_start3A_196 = tpu.memref_slice %arg10[%dma_start3A_194, %dma_start3A_195] : memref<10000x128xf32, #tpu.memory_space<vmem_shared>> -> memref<520x128xf32, #tpu.memory_space<vmem_shared>>
        tpu.enqueue_dma source(%dma_start3A_196 : memref<520x128xf32, #tpu.memory_space<vmem_shared>>) target(%dma_start3A_193 : memref<520x128xf32, #tpu.memory_space<hbm>>) target_semaphore(%run_scoped3A : memref<!tpu.dma_semaphore, #tpu.memory_space<semaphore_mem>>)
        %dma_wait3A_197 = arith.constant 9480 : i32
        %dma_wait3A_198 = arith.constant 0 : i32
        %dma_wait3A_199 = tpu.memref_slice %arg6[%arg0, %dma_wait3A_197, %dma_wait3A_198] : memref<2x10000x128xf32, #tpu.memory_space<hbm>> -> memref<1x520x128xf32, #tpu.memory_space<hbm>>
        %dma_wait3A_200 = tpu.memref_squeeze %dma_wait3A_199 : memref<1x520x128xf32, #tpu.memory_space<hbm>> -> memref<520x128xf32, #tpu.memory_space<hbm>>
        %dma_wait3A_201 = arith.constant 9480 : i32
        %dma_wait3A_202 = arith.constant 0 : i32
        %dma_wait3A_203 = tpu.memref_slice %arg10[%dma_wait3A_201, %dma_wait3A_202] : memref<10000x128xf32, #tpu.memory_space<vmem_shared>> -> memref<520x128xf32, #tpu.memory_space<vmem_shared>>
        tpu.wait_dma2 semaphore(%run_scoped3A : memref<!tpu.dma_semaphore, #tpu.memory_space<semaphore_mem>>) src(%dma_wait3A_203 : memref<520x128xf32, #tpu.memory_space<vmem_shared>>) dst(%dma_wait3A_200 : memref<520x128xf32, #tpu.memory_space<hbm>>)
        tpu.yield
      }) : () -> ()
    } else {
    }
    return
  }
}

module attributes {stable_mosaic.version = 14 : i64} {
  func.func @body(%arg0: i32, %arg1: memref<2xf32, #tpu.memory_space<smem>>, %arg2: memref<2x2000x128xf32, #tpu.memory_space<vmem>>, %arg3: memref<64x16xf32, #tpu.memory_space<vmem>>, %arg4: memref<64x16xf32, #tpu.memory_space<vmem>>, %arg5: memref<2000x16xf32, #tpu.memory_space<vmem>>) attributes {dimension_semantics = [#tpu.dimension_semantics<arbitrary>], iteration_bounds = array<i64: 5>, scalar_prefetch = 0 : i64, scratch_operands = 0 : i64, tpu.core_type = #tpu.core_type<tc>, window_params = [{transform_indices = @transform_0, window_bounds = array<i64: 2>}, {transform_indices = @transform_1, window_bounds = array<i64: 2, 2000, 128>}, {pipeline_mode = #tpu.pipeline_mode<synchronous>, transform_indices = @transform_2, window_bounds = array<i64: 64, 16>}, {pipeline_mode = #tpu.pipeline_mode<synchronous>, transform_indices = @transform_3, window_bounds = array<i64: 64, 16>}, {transform_indices = @transform_4, window_bounds = array<i64: 2000, 16>}]} {
    %get3A = arith.constant 0 : index
    %get3A_0 = arith.constant 0 : index
    %get3A_1 = arith.constant 0 : index
    %get3A_2 = vector.load %arg2[%get3A, %get3A_0, %get3A_1] : memref<2x2000x128xf32, #tpu.memory_space<vmem>>, vector<1x2000x128xf32>
    %get3A_3 = vector.shape_cast %get3A_2 : vector<1x2000x128xf32> to vector<2000x128xf32>
    %get3A_4 = arith.constant 1 : index
    %get3A_5 = arith.constant 0 : index
    %get3A_6 = arith.constant 0 : index
    %get3A_7 = vector.load %arg2[%get3A_4, %get3A_5, %get3A_6] : memref<2x2000x128xf32, #tpu.memory_space<vmem>>, vector<1x2000x128xf32>
    %get3A_8 = vector.shape_cast %get3A_7 : vector<1x2000x128xf32> to vector<2000x128xf32>
    %add3A = arith.addf %get3A_3, %get3A_8 : vector<2000x128xf32>
    %slice3A = vector.extract_strided_slice %add3A {offsets = [0, 0], sizes = [2000, 64], strides = [1, 1]} : vector<2000x128xf32> to vector<2000x64xf32>
    %get3A_9 = arith.constant 0 : index
    %get3A_10 = arith.constant 0 : index
    %get3A_11 = vector.load %arg3[%get3A_9, %get3A_10] : memref<64x16xf32, #tpu.memory_space<vmem>>, vector<64x16xf32>
    %dot_general3A = arith.constant dense<0.000000e+00> : vector<2000x16xf32>
    %dot_general3A_12 = tpu.matmul %slice3A, %get3A_11, %dot_general3A {dimension_numbers = #tpu.dot_dimension_numbers<[1], [0], [0], [1], [0, 0, 1, 1], [], []>, transpose_lhs_hint = false} : vector<2000x64xf32>, vector<64x16xf32>, vector<2000x16xf32> -> vector<2000x16xf32>
    %get3A_13 = arith.constant 0 : index
    %get3A_14 = memref.load %arg1[%get3A_13] : memref<2xf32, #tpu.memory_space<smem>>
    %mul3A = vector.broadcast %get3A_14 : f32 to vector<2000x16xf32>
    %mul3A_15 = arith.mulf %dot_general3A_12, %mul3A : vector<2000x16xf32>
    %slice3A_16 = vector.extract_strided_slice %add3A {offsets = [0, 64], sizes = [2000, 64], strides = [1, 1]} : vector<2000x128xf32> to vector<2000x64xf32>
    %get3A_17 = arith.constant 0 : index
    %get3A_18 = arith.constant 0 : index
    %get3A_19 = vector.load %arg4[%get3A_17, %get3A_18] : memref<64x16xf32, #tpu.memory_space<vmem>>, vector<64x16xf32>
    %dot_general3A_20 = arith.constant dense<0.000000e+00> : vector<2000x16xf32>
    %dot_general3A_21 = tpu.matmul %slice3A_16, %get3A_19, %dot_general3A_20 {dimension_numbers = #tpu.dot_dimension_numbers<[1], [0], [0], [1], [0, 0, 1, 1], [], []>, transpose_lhs_hint = false} : vector<2000x64xf32>, vector<64x16xf32>, vector<2000x16xf32> -> vector<2000x16xf32>
    %get3A_22 = arith.constant 1 : index
    %get3A_23 = memref.load %arg1[%get3A_22] : memref<2xf32, #tpu.memory_space<smem>>
    %mul3A_24 = vector.broadcast %get3A_23 : f32 to vector<2000x16xf32>
    %mul3A_25 = arith.mulf %dot_general3A_21, %mul3A_24 : vector<2000x16xf32>
    %add3A_26 = arith.addf %mul3A_15, %mul3A_25 : vector<2000x16xf32>
    %swap3A = arith.constant 0 : index
    %swap3A_27 = arith.constant 0 : index
    %swap3A_28 = vector.load %arg5[%swap3A, %swap3A_27] : memref<2000x16xf32, #tpu.memory_space<vmem>>, vector<2000x16xf32>
    tpu.vector_store %arg5[%swap3A, %swap3A_27], %add3A_26 {strides = array<i32>} : memref<2000x16xf32, #tpu.memory_space<vmem>>, vector<2000x16xf32>,
    return
  }
  func.func @transform_0(%arg0: i32) -> i32 {
    %c0_i32 = arith.constant 0 : i32
    %c0_i32_0 = arith.constant 0 : i32
    return %c0_i32 : i32
  }
  func.func @transform_1(%arg0: i32) -> (i32, i32, i32) {
    %c0_i32 = arith.constant 0 : i32
    %c0_i32_0 = arith.constant 0 : i32
    %c0_i32_1 = arith.constant 0 : i32
    return %c0_i32, %arg0, %c0_i32_0 : i32, i32, i32
  }
  func.func @transform_2(%arg0: i32) -> (i32, i32) {
    %c0_i32 = arith.constant 0 : i32
    %c0_i32_0 = arith.constant 0 : i32
    %c0_i32_1 = arith.constant 0 : i32
    return %c0_i32, %c0_i32_0 : i32, i32
  }
  func.func @transform_3(%arg0: i32) -> (i32, i32) {
    %c0_i32 = arith.constant 0 : i32
    %c0_i32_0 = arith.constant 0 : i32
    %c0_i32_1 = arith.constant 0 : i32
    return %c0_i32, %c0_i32_0 : i32, i32
  }
  func.func @transform_4(%arg0: i32) -> (i32, i32) {
    %c0_i32 = arith.constant 0 : i32
    %c0_i32_0 = arith.constant 0 : i32
    return %arg0, %c0_i32 : i32, i32
  }
}

module attributes {stable_mosaic.version = 14 : i64} {
  func.func @body(%arg0: i32, %arg1: memref<2x2000x128xf32, #tpu.memory_space<vmem>>, %arg2: memref<128x64xf32, #tpu.memory_space<vmem>>, %arg3: memref<128x64xf32, #tpu.memory_space<vmem>>, %arg4: memref<2000x128xf32, #tpu.memory_space<vmem>>) attributes {dimension_semantics = [#tpu.dimension_semantics<arbitrary>], iteration_bounds = array<i64: 5>, scalar_prefetch = 0 : i64, scratch_operands = 0 : i64, tpu.core_type = #tpu.core_type<tc>, window_params = [{transform_indices = @transform_0, window_bounds = array<i64: 2, 2000, 128>}, {pipeline_mode = #tpu.pipeline_mode<synchronous>, transform_indices = @transform_1, window_bounds = array<i64: 128, 64>}, {pipeline_mode = #tpu.pipeline_mode<synchronous>, transform_indices = @transform_2, window_bounds = array<i64: 128, 64>}, {transform_indices = @transform_3, window_bounds = array<i64: 2000, 128>}]} {
    %get3A = arith.constant 0 : index
    %get3A_0 = arith.constant 0 : index
    %get3A_1 = arith.constant 0 : index
    %get3A_2 = vector.load %arg1[%get3A, %get3A_0, %get3A_1] : memref<2x2000x128xf32, #tpu.memory_space<vmem>>, vector<1x2000x128xf32>
    %get3A_3 = vector.shape_cast %get3A_2 : vector<1x2000x128xf32> to vector<2000x128xf32>
    %get3A_4 = arith.constant 1 : index
    %get3A_5 = arith.constant 0 : index
    %get3A_6 = arith.constant 0 : index
    %get3A_7 = vector.load %arg1[%get3A_4, %get3A_5, %get3A_6] : memref<2x2000x128xf32, #tpu.memory_space<vmem>>, vector<1x2000x128xf32>
    %get3A_8 = vector.shape_cast %get3A_7 : vector<1x2000x128xf32> to vector<2000x128xf32>
    %add3A = arith.addf %get3A_3, %get3A_8 : vector<2000x128xf32>
    %get3A_9 = arith.constant 0 : index
    %get3A_10 = arith.constant 0 : index
    %get3A_11 = vector.load %arg2[%get3A_9, %get3A_10] : memref<128x64xf32, #tpu.memory_space<vmem>>, vector<128x64xf32>
    %dot_general3A = arith.constant dense<0.000000e+00> : vector<2000x64xf32>
    %dot_general3A_12 = tpu.matmul %add3A, %get3A_11, %dot_general3A {dimension_numbers = #tpu.dot_dimension_numbers<[1], [0], [0], [1], [0, 0, 1, 1], [], []>, transpose_lhs_hint = false} : vector<2000x128xf32>, vector<128x64xf32>, vector<2000x64xf32> -> vector<2000x64xf32>
    %max3A = arith.constant 0.000000e+00 : f32
    %max3A_13 = vector.broadcast %max3A : f32 to vector<2000x64xf32>
    %max3A_14 = arith.maximumf %dot_general3A_12, %max3A_13 : vector<2000x64xf32>
    %get3A_15 = arith.constant 0 : index
    %get3A_16 = arith.constant 0 : index
    %get3A_17 = vector.load %arg3[%get3A_15, %get3A_16] : memref<128x64xf32, #tpu.memory_space<vmem>>, vector<128x64xf32>
    %dot_general3A_18 = arith.constant dense<0.000000e+00> : vector<2000x64xf32>
    %dot_general3A_19 = tpu.matmul %add3A, %get3A_17, %dot_general3A_18 {dimension_numbers = #tpu.dot_dimension_numbers<[1], [0], [0], [1], [0, 0, 1, 1], [], []>, transpose_lhs_hint = false} : vector<2000x128xf32>, vector<128x64xf32>, vector<2000x64xf32> -> vector<2000x64xf32>
    %max3A_20 = arith.constant 0.000000e+00 : f32
    %max3A_21 = vector.broadcast %max3A_20 : f32 to vector<2000x64xf32>
    %max3A_22 = arith.maximumf %dot_general3A_19, %max3A_21 : vector<2000x64xf32>
    %concatenate3A = tpu.concatenate %max3A_14, %max3A_22 in 1 : vector<2000x64xf32>, vector<2000x64xf32> -> vector<2000x128xf32>
    %swap3A = arith.constant 0 : index
    %swap3A_23 = arith.constant 0 : index
    %swap3A_24 = vector.load %arg4[%swap3A, %swap3A_23] : memref<2000x128xf32, #tpu.memory_space<vmem>>, vector<2000x128xf32>
    tpu.vector_store %arg4[%swap3A, %swap3A_23], %concatenate3A {strides = array<i32>} : memref<2000x128xf32, #tpu.memory_space<vmem>>, vector<2000x128xf32>,
    return
  }
  func.func @transform_0(%arg0: i32) -> (i32, i32, i32) {
    %c0_i32 = arith.constant 0 : i32
    %c0_i32_0 = arith.constant 0 : i32
    %c0_i32_1 = arith.constant 0 : i32
    return %c0_i32, %arg0, %c0_i32_0 : i32, i32, i32
  }
  func.func @transform_1(%arg0: i32) -> (i32, i32) {
    %c0_i32 = arith.constant 0 : i32
    %c0_i32_0 = arith.constant 0 : i32
    %c0_i32_1 = arith.constant 0 : i32
    return %c0_i32, %c0_i32_0 : i32, i32
  }
  func.func @transform_2(%arg0: i32) -> (i32, i32) {
    %c0_i32 = arith.constant 0 : i32
    %c0_i32_0 = arith.constant 0 : i32
    %c0_i32_1 = arith.constant 0 : i32
    return %c0_i32, %c0_i32_0 : i32, i32
  }
  func.func @transform_3(%arg0: i32) -> (i32, i32) {
    %c0_i32 = arith.constant 0 : i32
    %c0_i32_0 = arith.constant 0 : i32
    return %arg0, %c0_i32 : i32, i32
  }
}

</mosaic_0001>

<sc_bundles>
// kernel: kernel.6.cloned.1.call-start
scs
__scs_entry_jumppad:
0x0: {  	(pc) =	sbr.rel $0x88, $3  }
0x1: {  	(tag) =	ssettag $0x0;
	lr =	simm.s32 $0x1  }
0x2: {  	[smem:$0x3F9A] =	sst lr;
	_ =	strace $0xD0000000  }
0x3: {  	_ = 	snop  }
0x4: {  	_ = 	snop  }
0x5: {  	_ = 	snop  }
0x6: {  	_ = 	snop  }
0x7: {  	_ = 	snop  }
__scs_overlays_trampoline_lowered:
0x8: {  	[smem:$0x3FA9] =	sst s0  }
0x9: {  	[smem:$0x3FAA] =	sst s1  }
0xa: {  	[smem:$0x3FAB] =	sst s2  }
0xb: {  	[smem:$0x3FAC] =	sst s3  }
0xc: {  	[smem:$0x3FAD] =	sst s4  }
0xd: {  	[smem:$0x3FAE] =	sst s5  }
0xe: {  	[smem:$0x3FAF] =	sst s6  }
0xf: {  	[smem:$0x3FB0] =	sst s7  }
0x10: {  	[smem:$0x3FB1] =	sst s8  }
0x11: {  	[smem:$0x3FB2] =	sst s9;
	s0 =	simm.s32 @!p0 $0x0  }
0x12: {  	s1 =	sld [smem:$0x3F98];
	s0 =	simm.s32 @p0 $0x1  }
0x13: {  	[smem:$0x3FB3] =	sst s0;
	s0 =	simm.s32 @!p1 $0x0  }
0x14: {  	s2 =	sld [smem:$0x3F97];
	s0 =	simm.s32 @p1 $0x1  }
0x15: {  	[smem:$0x3FB4] =	sst s0;
	s0 =	simm.s32 @!p2 $0x0  }
0x16: {  	s3 =	sld [smem:$0x3FDB];
	s0 =	simm.s32 @p2 $0x1  }
0x17: {  	s4 =	simm.s32 $0x1BF5;
	[smem:$0x3FB6] =	sst s0  }
0x18: {  	s0 =	sld [smem:$0x3F99];
	_ =	swait.ge [sflag:s4], $0x0  }
0x19: {  	s7 =	sld [smem:$0x3F9A]  }
0x1a: {  	s8 =	sadd.s32 $0xFFFFE003, lr  }
0x1b: {  	s9 =	sadd.s32 $0xFFFFFEF7, lr;
	s5 =	simm.s32 $0xFFFFFFFF;
	p2 =	slt.u32 s8, $0xFFFFF086  }
0x1c: {  	p1 =	slt.u32 s9, $0xF7A;
	s5 =	simm.s32 @!p2 $0x0  }
0x1d: {  	s5 =	simm.s32 @p1 $0x1;
	p0 =	seq.s32 s7, s2  }
0x1e: {  	s7 =	smul.u32 @!p0 $0xF7A, s2;
	p2 =	seq.s32 @!p0 s5, $0x0  }
0x1f: {  	s9 =	smul.u32 $0xF7A, s1;
	s8 =	simm.s32 @!p0 $0x1BF5;
	p2 =	por !p2, p0  }
0x20: {  	[sflag:s8] =	ssyncset.s32 @!p0 $0xFFFFF086;
	s6 =	sadd.s32 @!p0 s3, s7;
	s7 =	simm.s32 @!p0 $0x108  }
0x21: {  	s3 =	sadd.s32 s3, s9;
	s6 =	sadd.s32 @!p0 $0x88, s6;
	s7 =	simm.s32 @p2 $0x1082  }
0x22: {  	[simem:s7], [sflag:s8] =	dma.local @!p0 [hbm:s6], $0xF7A  }
0x23: {  	s9 =	sor.u32 $0xD0000000, s2;
	s6 =	simm.s32 $0x108;
	_ =	swait.ge @!p0 [sflag:s8], $0x0  }
0x24: {  	s3 =	sadd.s32 $0x88, s3;
	s6 =	simm.s32 @!p1 $0x1082;
	[sflag:s4] =	ssyncset.s32 $0xFFFFF086  }
0x25: {  	[simem:s6], [sflag:s4] =	dma.local [hbm:s3], $0xF7A  }
0x26: {  	[smem:$0x3F9A] =	sst s1;
	(tag) =	ssettag s2;
	_ =	strace s9  }
0x27: {  	s1 =	sld [smem:$0x3FAA]  }
0x28: {  	s2 =	sld [smem:$0x3FAB]  }
0x29: {  	s4 =	sld [smem:$0x3FAD]  }
0x2a: {  	p0 =	seq.s32 s5, $0x0;
	s5 =	sld [smem:$0x3FAE]  }
0x2b: {  	s6 =	sld [smem:$0x3FAF]  }
0x2c: {  	s7 =	sld [smem:$0x3FB0]  }
0x2d: {  	s3 =	simm.s32 $0x108;
	s8 =	sld [smem:$0x3FB1]  }
0x2e: {  	s3 =	simm.s32 @!p0 $0x1082;
	s9 =	sld [smem:$0x3FB2]  }
0x2f: {  	lr =	sadd.s32 s0, s3;
	s0 =	sld [smem:$0x3FA9]  }
0x30: {  	s3 =	sld [smem:$0x3FAC]  }
0x31: {  	[smem:$0x3FB5] =	sst s10  }
0x32: {  	s10 =	sld [smem:$0x3FB3];
	_ =	sdelay $0x3  }
0x33: {  	p0 =	seq.s32 s10, $0x1;
	s10 =	sld [smem:$0x3FB5];
	_ =	sdelay $0x3  }
0x34: {  	[smem:$0x3FB5] =	sst s10  }
0x35: {  	s10 =	sld [smem:$0x3FB4];
	_ =	sdelay $0x3  }
0x36: {  	p1 =	seq.s32 s10, $0x1;
	s10 =	sld [smem:$0x3FB5];
	_ =	sdelay $0x3  }
0x37: {  	[smem:$0x3FB5] =	sst s10  }
0x38: {  	s10 =	sld [smem:$0x3FB6]  }
0x39: {  	_ = 	snop;
	(pc) =	sbr.ind lr, $3  }
0x3a: {  	_ = 	snop  }
0x3b: {  	_ = 	snop  }
0x3c: {  	p2 =	seq.s32 s10, $0x1;
	s10 =	sld [smem:$0x3FB5]  }
0x3d: {  	_ =	shalt  }
0x3e: {  	_ =	shalt  }
0x3f: {  	_ =	shalt  }
0x40: {  	_ =	shalt  }
0x41: {  	_ =	shalt  }
0x42: {  	_ =	shalt  }
0x43: {  	_ =	shalt  }
0x44: {  	_ =	shalt  }
0x45: {  	_ =	shalt  }
0x46: {  	_ =	shalt  }
0x47: {  	_ =	shalt  }
0x48: {  	_ =	shalt  }
0x49: {  	_ =	shalt  }
0x4a: {  	_ =	shalt  }
0x4b: {  	_ =	shalt  }
0x4c: {  	_ =	shalt  }
0x4d: {  	_ =	shalt  }
0x4e: {  	_ =	shalt  }
0x4f: {  	_ =	shalt  }
0x50: {  	_ =	shalt  }
0x51: {  	_ =	shalt  }
0x52: {  	_ =	shalt  }
0x53: {  	_ =	shalt  }
0x54: {  	_ =	shalt  }
0x55: {  	_ =	shalt  }
0x56: {  	_ =	shalt  }
0x57: {  	_ =	shalt  }
0x58: {  	_ =	shalt  }
0x59: {  	_ =	shalt  }
0x5a: {  	_ =	shalt  }
0x5b: {  	_ =	shalt  }
0x5c: {  	_ =	shalt  }
0x5d: {  	_ =	shalt  }
0x5e: {  	_ =	shalt  }
0x5f: {  	_ =	shalt  }
0x60: {  	_ =	shalt  }
0x61: {  	_ =	shalt  }
0x62: {  	_ =	shalt  }
0x63: {  	_ =	shalt  }
0x64: {  	_ =	shalt  }
0x65: {  	_ =	shalt  }
0x66: {  	_ =	shalt  }
0x67: {  	_ =	shalt  }
0x68: {  	_ =	shalt  }
0x69: {  	_ =	shalt  }
0x6a: {  	_ =	shalt  }
0x6b: {  	_ =	shalt  }
0x6c: {  	_ =	shalt  }
0x6d: {  	_ =	shalt  }
0x6e: {  	_ =	shalt  }
0x6f: {  	_ =	shalt  }
0x70: {  	_ =	shalt  }
0x71: {  	_ =	shalt  }
0x72: {  	_ =	shalt  }
0x73: {  	_ =	shalt  }
0x74: {  	_ =	shalt  }
0x75: {  	_ =	shalt  }
0x76: {  	_ =	shalt  }
0x77: {  	_ =	shalt  }
0x78: {  	_ =	shalt  }
0x79: {  	_ =	shalt  }
0x7a: {  	_ =	shalt  }
0x7b: {  	_ =	shalt  }
0x7c: {  	_ =	shalt  }
0x7d: {  	_ =	shalt  }
0x7e: {  	_ =	shalt  }
0x7f: {  	_ =	shalt  }
0x80: {  	_ =	shalt  }
0x81: {  	_ =	shalt  }
0x82: {  	_ =	shalt  }
0x83: {  	_ =	shalt  }
0x84: {  	_ =	shalt  }
0x85: {  	_ =	shalt  }
0x86: {  	_ =	shalt  }
0x87: {  	_ =	shalt  }
.Lfunc_end0:
.L_simem_size_0:
called_computation_lowered:
.L_overlay_start_0:
0x88: {  	s2 =	sld [smem:$0x3FD9]  }
0x89: {  	s3 =	sld [smem:$0x3FFE];
	_ =	sdelay $0x1  }
0x8a: {  	s1 =	srdreg.scid  }
0x8b: {  	s0 =	sand.u32 $0x1, s1  }
0x8c: {  	s17 =	sshll.u32 s0, $0xA;
	s2 =	sadd.s32 s3, s2  }
0x8d: {  	s2 =	sadd.s32 s2, s17  }
0x8e: {  	[smem:$0x3FC1] =	sst s2  }
0x8f: {  	_ = 	snop  }
0x90: {  	s2 =	sld [smem:$0x3FC9];
	(tm) =	ssettm $0x1  }
0x91: {  	s18 =	sld [smem:$0x3FFB];
	_ =	sdelay $0x3  }
0x92: {  	_ =	strace s18  }
0x93: {  	s3 =	sld [smem:$0x3FFC];
	_ =	sdelay $0x3  }
0x94: {  	_ =	strace s3  }
0x95: {  	s3 =	sld [smem:$0x3FFD];
	_ =	sdelay $0x3  }
0x96: {  	_ =	strace s3  }
0x97: {  	_ =	strace $0x8FFFFFFF  }
0x98: {  	s19 =	sld [smem:$0x3FDB];
	_ =	sdelay $0x1  }
0x99: {  	s4 =	simm.s32 $_scs_section_size  }
0x9a: {  	s5 =	simm.s32 $_size__tile_overlayer_lowered;
	s6 =	simm.s32 $_tile_overlayer_lowered  }
0x9b: {  	s22 =	simm.s32 $0x1BFF;
	s21 =	sshll.u32 s6, $0x1;
	s3 =	sadd.s32 s4, s19  }
0x9c: {  	s7 =	simm.s32 $0x0;
	s20 =	sshll.u32 s5, $0x1;
	s5 =	sadd.s32 s21, s3  }
0x9d: {  	[timem:s7], [sflag:s22] =	dma.local [hbm:s5], s20  }
0x9e: {  	_ =	swait.ge [sflag:s22], s20  }
0x9f: {  	s4 =	ssub.s32 $0x0, s20;
	[sflag:s22] =	ssyncset.done $0x0  }
0xa0: {  	[sflag:s22] =	ssyncadd.s32 s4;
	_ =	sdelay $0x1  }
0xa1: {  	s23 =	simm.s32 $0x1B8B  }
0xa2: {  	_ =	swait.ge [sflag:s23], $0x1  }
0xa3: {  	[sflag:s23] =	ssyncset.done $0x0  }
0xa4: {  	s25 =	simm.s32 $0x1B8E;
	s24 =	sld [smem:$0x3FFE];
	[sflag:s23] =	ssyncadd.s32 $0xFFFFFFFF  }
0xa5: {  	s26 =	simm.s32 $execute0_lowered;
	[smem:$0x3FD2] =	sst s25  }
0xa6: {  	s5 =	sshll.u32 s26, $0x1;
	_ =	strace $0x80000046;
	[dreg:$0x1] =	wrdreg $0xFFFFFFFF  }
0xa7: {  	s28 =	simm.s32 $_size_execute0_lowered;
	s3 =	sadd.s32 s3, s5;
	[dreg:$0x0] =	wrdreg $0x0  }
0xa8: {  	s5 =	sshll.u32 s28, $0x1;
	[dreg:$0x2] =	wrdreg s3  }
0xa9: {  	[dreg:$0x3] =	wrdreg s5  }
0xaa: {  	[dreg:$0x4] =	wrdreg $0xC0  }
0xab: {  	_ =	task [dreg:s7], $0x5FFFF  }
0xac: {  	[dreg:$0x1] =	wrdreg $0xFFFFFFFF  }
0xad: {  	[dreg:$0x0] =	wrdreg $0x60  }
0xae: {  	[dreg:$0x2] =	wrdreg s2  }
0xaf: {  	[dreg:$0x3] =	wrdreg s24  }
0xb0: {  	[dreg:$0x4] =	wrdreg $0xC7000  }
0xb1: {  	[dreg:$0x5] =	wrdreg $0x9  }
0xb2: {  	_ =	task.clear_ibuf [dreg:s7], $0x6FFFF;
	_ =	strace $0x90000046  }
0xb3: {  	s29 =	simm.s32 $0x9;
	_ =	strace $0x80000048  }
0xb4: {  	_ =	swait.ge [sflag:s29], $0x1  }
0xb5: {  	[sflag:s29] =	ssyncadd.s32 $0xFFFFFFFF  }
0xb6: {  	_ =	strace $0x90000048  }
0xb7: {  	_ =	sfence  }
0xb8: {  	s30 =	sld [smem:$0x0];
	_ =	sdelay $0x2  }
0xb9: {  	s31 =	sshll.u32 s1, $0xD;
	s1 =	sshrl.u32 s1, $0x2  }
0xba: {  	s3 =	sand.u32 $0x4000, s31;
	s1 =	sadd.s32 s1, s30  }
0xbb: {  	s0 =	sor.u32 s3, s0;
	s1 =	sshll.u32 s1, $0x11  }
0xbc: {  	s0 =	sor.u32 s1, s0  }
0xbd: {  	s0 =	sadd.s32 $0x8F2B, s0  }
0xbe: {  	[sflag:s0] =	ssyncadd.remote.s32 $0x1  }
0xbf: {  	_ =	sfence.sel $0xFFFF  }
0xc0: {  	[dreg:$0x0] =	wrdreg $0xFFFFFFFF;
	(pc) =	sbr.abs _section_cstart, $3  }
0xc1: {  	[dreg:$0x1] =	wrdreg $0xFFFFFFFF  }
0xc2: {  	_ =	task.clear_ibuf [dreg:s7], $0x2FFFF;
	_ =	strace $0x9FFFFFFF  }
0xc3: {  	(tm) =	ssettm $0x7FFFFFFF  }
tec
execute0_lowered:
.L_overlay_start_1:
0x0: {  	(tag) =	ssettag $0x1  }
0x1: {  	s1 =	rddreg [dreg:$0x0]  }
0x2: {  	s0 =	rddreg [dreg:$0x1];
	s2 =	srdreg.scid  }
0x3: {  	s11 =	stileid.u32;
	s28 =	simm.s32 $0xE;
	s29 =	simm.s32 $0xB  }
0x4: {  	s30 =	simm.s32 $0xC;
	s31 =	simm.s32 $0x7;
	s19 =	smul.u32 $0x2780, s11  }
0x5: {  	s2 =	sand.u32 $0x1, s2;
	s3 =	sshrl.u32 s11, $0x2;
	s9 =	smul.u32 $0x4F000, s11  }
0x6: {  	s4 =	sshll.u32 s11, $0x8;
	s10 =	sadd.s32 $0x3BE00, s0;
	s22 =	smul.u32 $0x13C00, s11  }
0x7: {  	p0 =	seq.s32 s11, $0xF;
	s5 =	smul.u32 $0x13C00, s3;
	s6 =	sshll.u32 s2, $0x7  }
0x8: {  	s4 =	sand.u32 $0x300, s4;
	s3 =	rddreg [dreg:$0x2];
	s7 =	ssub.s32 $0x2, s2  }
0x9: {  	s2 =	smul.u32 $0x138800, s2;
	s16 =	sshll.u32 @!p0 s11, $0x6;
	s6 =	sor.u32 s6, s4  }
0xa: {  	s4 =	simm.s32 $0x0;
	s8 =	sshrl.u32 s7, $0x1;
	s21 =	sshrl.u32 s9, $0x2  }
0xb: {  	s17 =	sor.u32 @!p0 $0x1C0F, s16;
	s5 =	sor.u32 s5, s6;
	[smem:$0x7FF] =	sst s4  }
0xc: {  	s6 =	sadd.s32 s19, s0;
	s7 =	ssub.s32 s7, s8;
	s23 =	sadd.s32 s22, s2  }
0xd: {  	s2 =	sshrl.u32 s2, $0x3;
	s19 =	simm.s32 $0xD;
	s22 =	simm.s32 $0x0  }
0xe: {  	s5 =	sshrl.u32 s5, $0x3;
	_ =	strace $0x80000047;
	s6 =	sadd.s32 $0x14C00, s6  }
0xf: {  	s2 =	sadd.s32 s10, s2;
	s26 =	smax.u32 s7, $0x1;
	[dreg:$0x6] =	wrdreg s6  }
0x10: {  	s5 =	sadd.s32 s5, s0;
	s0 =	sadd.s32 $0x39C80, s0;
	[dreg:$0xa] =	wrdreg s26  }
0x11: {  	s24 =	sshrl.u32 s23, $0x3;
	s25 =	sadd.s32 $0x25080, s2;
	[dreg:$0x7] =	wrdreg s0  }
0x12: {  	s6 =	sadd.s32 $0x128400, s3;
	s20 =	sadd.s32 $0x1000, s5;
	[dreg:$0x9] =	wrdreg s25  }
0x13: {  	s2 =	simm.s32 $0x8;
	s5 =	sadd.s32 $0xAE00, s5;
	[dreg:$0x4] =	wrdreg s20  }
0x14: {  	s0 =	sadd.s32 s10, s24;
	s15 =	sshrl.u32 @p0 s6, $0x3;
	[dreg:$0x5] =	wrdreg s5  }
0x15: {  	s5 =	sadd.s32 s21, s3;
	[dreg:$0x8] =	wrdreg s0;
	s20 =	simm.s32 $0x28  }
0x16: {  	s0 =	simm.s32 $0x9;
	s21 =	simm.s32 $0xA;
	s18 =	sshrl.u32 @!p0 s5, $0x3  }
.LBB2_1:
0x17: {  	s5 =	rddreg [dreg:$0x4];
	s6 =	simm.s32 $0x80;
	s7 =	simm.s32 $0x400  }
0x18: {  	[tilespmem:s4], [sflag:$0xD] =	stream.strided.gather [hbm4b:s5+s6], $0x2780, s7, s6, $0x38;
	[tilespmem:$0x1FF80] =	vst v63  }
0x19: {  	s26 =	rddreg [dreg:$0x5];
	s10 =	simm.s32 $0x2780  }
0x1a: {  	[tilespmem:s10], [sflag:$0xE] =	stream.strided.gather [hbm4b:s26+s6], $0x2780, s7, s6, $0x38;
	[tilespmem:$0x1FF80] =	vst v63  }
0x1b: {  	s5 =	simm.s32 @p0 $0x1FCF;
	s6 =	rddreg [dreg:$0x7]  }
0x1c: {  	[spmem:s15], [sflag:s5] =	dma.local @p0 [hbm:s6], $0x2080  }
0x1d: {  	s5 =	rddreg [dreg:$0x6]  }
0x1e: {  	[spmem:s18], [sflag:s17] =	dma.local @!p0 [hbm:s5], $0x2780  }
0x1f: {  	_ =	swait.ge [sflag:s19], $0x2780  }
0x20: {  	[sflag:s19] =	ssyncset.done $0x0  }
0x21: {  	s7 =	simm.s32 $0x4F00;
	[sflag:s19] =	ssyncadd.s32 $0xFFFFD880  }
0x22: {  	[tilespmem:s7], [sflag:$0x1] =	stream.indirect.gather [hbm4b:s1+s20], $0x80, s4, s20, $0xb8;
	[tilespmem:$0x1FF80] =	vst v63  }
0x23: {  	s8 =	simm.s32 $0x6300  }
0x24: {  	[tilespmem:s8], [sflag:$0x2] =	stream.indirect.gather [hbm4b:s1+s20], $0x80, s20, s20, $0xb8;
	[tilespmem:$0x1FF80] =	vst v63  }
0x25: {  	s9 =	simm.s32 $0x50;
	s11 =	simm.s32 $0x7700  }
0x26: {  	[tilespmem:s11], [sflag:$0x3] =	stream.indirect.gather [hbm4b:s1+s20], $0x80, s9, s20, $0xb8;
	[tilespmem:$0x1FF80] =	vst v63  }
0x27: {  	s12 =	simm.s32 $0x78;
	s13 =	simm.s32 $0x8B00  }
0x28: {  	[tilespmem:s13], [sflag:$0x4] =	stream.indirect.gather [hbm4b:s1+s20], $0x80, s12, s20, $0xb8;
	[tilespmem:$0x1FF80] =	vst v63  }
0x29: {  	s14 =	smul.u32 $0xAB, s4;
	_ =	swait.ge [sflag:s28], $0x2780  }
0x2a: {  	s23 =	simm.s32 $0x4;
	[sflag:s28] =	ssyncset.done $0x0  }
0x2b: {  	s6 =	sshrl.u32 s14, $0xA;
	s5 =	simm.s32 @p0 $0xF;
	[sflag:s28] =	ssyncadd.s32 $0xFFFFD880  }
0x2c: {  	p1 =	por $0x0, $0x0;
	s6 =	sand.u32 $0x3F, s6;
	_ =	swait.ge @p0 [sflag:s5], $0x2080  }
0x2d: {  	s25 =	simm.s32 $0x27A8;
	s6 =	smul.u32 $0x6, s6;
	[sflag:s5] =	ssyncset.done @p0 $0x0  }
0x2e: {  	p2 =	por @!p1 $0x1, $0x1;
	[sflag:s5] =	ssyncadd.s32 @p0 $0xFFFFDF80;
	s5 =	simm.s32 @!p0 $0xF  }
0x2f: {  	p2 =	por p2, p1;
	s8 =	ssub.s32 $0x0, s6;
	_ =	swait.ge @!p0 [sflag:s5], $0x2780  }
0x30: {  	s26 =	simm.s32 $0xA0;
	s8 =	sand.u32 $0xFF, s8;
	[sflag:s5] =	ssyncset.done @!p0 $0x0  }
0x31: {  	s9 =	smul.u32 $0x5000, s8;
	[sflag:s5] =	ssyncadd.s32 @!p0 $0xFFFFD880;
	s5 =	sand.u32 $0xFF, s23  }
0x32: {  	s12 =	sadd.s32 $0x1, s8;
	[bflag:$0x0] =	sbarrier.arrive $0xFFFF;
	s5 =	smul.u32 $0xAB, s5  }
0x33: {  	s9 =	sshrl.u32 s9, $0x2;
	s8 =	sadd.s32 $0x7, s8;
	_ =	swait.ge [sflag:s12], $0x1400  }
0x34: {  	s9 =	sadd.s32 $0x4F00, s9;
	s5 =	sshrl.u32 s5, $0xA;
	[sflag:s12] =	ssyncset.done $0x0  }
0x35: {  	s23 =	simm.s32 $0x1;
	s5 =	smul.u32 $0x6, s5;
	[sflag:s12] =	ssyncadd.s32 $0xFFFFEC00  }
0x36: {  	[spmem:s3] =	stream.indirect.scatter.add.f32 [tilespmem:s9], [sflag:s8], $0x80, s10, s20, $0xb8;
	[tilespmem:$0x1FF80] =	vst v63  }
0x37: {  	s6 =	simm.s32 $0x2;
	s7 =	smul.u32 $0xAB, s23;
	s24 =	ssub.s32 $0x4, s5  }
0x38: {  	s5 =	simm.s32 $0x5;
	s8 =	sand.u32 $0xFF, s24;
	s24 =	simm.s32 $0xC8  }
0x39: {  	s9 =	sadd.s32 @!p2 $0x7, s8;
	s12 =	smul.u32 @!p1 $0x5000, s8;
	s8 =	sadd.s32 @!p1 $0x1, s8  }
.LBB2_2:
0x3a: {  	s10 =	sshrl.u32 s7, $0xA;
	_ =	swait.ge @!p2 [sflag:s9], $0x1400;
	s13 =	simm.s32 @!p1 $0x28  }
0x3b: {  	s11 =	smov.u32 s23;
	s23 =	smov.u32 s6;
	s14 =	smov.u32 s25  }
0x3c: {  	s7 =	smul.u32 $0xAB, s6;
	[sflag:s9] =	ssyncset.done @!p2 $0x0;
	s12 =	sshrl.u32 @!p1 s12, $0x2  }
0x3d: {  	s10 =	sand.u32 $0x3F, s10;
	[sflag:s9] =	ssyncadd.s32 @!p2 $0xFFFFEC00;
	s9 =	sadd.s32 @!p1 $0x4F00, s12  }
0x3e: {  	[tilespmem:s9], [sflag:s8] =	stream.indirect.gather @!p1 [hbm4b:s1+s13], $0x80, s26, s13, $0xb8;
	[tilespmem:$0x1FF80] =	vst v63  }
0x3f: {  	s6 =	sadd.s32 $0x1, s6;
	s8 =	smul.u32 $0x6, s10;
	s9 =	sand.u32 $0xFF, s5  }
0x40: {  	p3 =	sne.s32 s6, $0xFA;
	s26 =	smov.u32 s24;
	s9 =	smul.u32 $0xAB, s9  }
0x41: {  	s8 =	ssub.s32 s11, s8  }
0x42: {  	s8 =	sand.u32 $0xFF, s8;
	s9 =	sshrl.u32 s9, $0xA  }
0x43: {  	p1 =	sgt.u32 s11, $0xF5;
	s10 =	smul.u32 $0x5000, s8;
	s12 =	sadd.s32 $0x1, s8  }
0x44: {  	p2 =	slt.u32 @!p1 s11, $0x2;
	s9 =	smul.u32 $0x6, s9;
	_ =	swait.ge [sflag:s12], $0x1400  }
0x45: {  	p2 =	por p2, p1;
	s10 =	sshrl.u32 s10, $0x2;
	[sflag:s12] =	ssyncset.done $0x0  }
.Ltmp0:
0x46: {  	s10 =	sadd.s32 $0x4F00, s10;
	[sflag:s12] =	ssyncadd.s32 $0xFFFFEC00;
	(pc) =	sbr.rel @p3 .LBB2_2-.Ltmp0, $4  }
0x47: {  	s25 =	sadd.s32 $0x28, s25;
	s8 =	sadd.s32 $0x7, s8;
	s9 =	ssub.s32 s5, s9  }
0x48: {  	[spmem:s3] =	stream.indirect.scatter.add.f32 [tilespmem:s10], [sflag:s8], $0x80, s14, s20, $0xb8;
	[tilespmem:$0x1FF80] =	vst v63  }
0x49: {  	s24 =	sadd.s32 $0x28, s24;
	s5 =	sadd.s32 $0x4, s23;
	s8 =	sand.u32 $0xFF, s9  }
0x4a: {  	s9 =	sadd.s32 @!p2 $0x7, s8;
	s12 =	smul.u32 @!p1 $0x5000, s8;
	s8 =	sadd.s32 @!p1 $0x1, s8  }
0x4b: {  	_ =	swait.ge @!p2 [sflag:s9], $0x1400  }
0x4c: {  	s6 =	sshrl.u32 s7, $0xA;
	s7 =	simm.s32 @!p1 $0x28;
	[sflag:s9] =	ssyncset.done @!p2 $0x0  }
0x4d: {  	s10 =	sshrl.u32 @!p1 s12, $0x2;
	s6 =	sand.u32 $0x3F, s6;
	s12 =	sand.u32 $0xFF, s5  }
0x4e: {  	[sflag:s9] =	ssyncadd.s32 @!p2 $0xFFFFEC00;
	s9 =	sadd.s32 @!p1 $0x4F00, s10;
	s6 =	smul.u32 $0x6, s6  }
0x4f: {  	[tilespmem:s9], [sflag:s8] =	stream.indirect.gather @!p1 [hbm4b:s1+s7], $0x80, s26, s7, $0xb8;
	[tilespmem:$0x1FF80] =	vst v63  }
0x50: {  	s7 =	smul.u32 $0xAB, s12;
	s6 =	ssub.s32 s23, s6  }
0x51: {  	s6 =	sand.u32 $0xFF, s6  }
0x52: {  	p1 =	sgt.u32 s23, $0xF5;
	s7 =	sshrl.u32 s7, $0xA;
	s13 =	smul.u32 $0x5000, s6  }
0x53: {  	p2 =	slt.u32 @!p1 s23, $0x2;
	s14 =	sadd.s32 $0x1, s6;
	s7 =	smul.u32 $0x6, s7  }
0x54: {  	p2 =	por p2, p1;
	s6 =	sadd.s32 $0x7, s6;
	_ =	swait.ge [sflag:s14], $0x1400  }
0x55: {  	s8 =	sshrl.u32 s13, $0x2;
	[sflag:s14] =	ssyncset.done $0x0;
	s23 =	ssub.s32 s5, s7  }
0x56: {  	s8 =	sadd.s32 $0x4F00, s8;
	[sflag:s14] =	ssyncadd.s32 $0xFFFFEC00;
	s5 =	sand.u32 $0xFF, s23  }
0x57: {  	[spmem:s3] =	stream.indirect.scatter.add.f32 [tilespmem:s8], [sflag:s6], $0x80, s25, s20, $0xb8;
	[tilespmem:$0x1FF80] =	vst v63  }
0x58: {  	s6 =	sadd.s32 @!p2 $0x7, s5;
	s7 =	smul.u32 @!p1 $0x5000, s5  }
0x59: {  	_ =	swait.ge @!p2 [sflag:s6], $0x1400  }
0x5a: {  	s5 =	sadd.s32 @!p1 $0x1, s5;
	[sflag:s6] =	ssyncset.done @!p2 $0x0;
	s7 =	sshrl.u32 @!p1 s7, $0x2  }
0x5b: {  	s8 =	simm.s32 @!p1 $0x28;
	[sflag:s6] =	ssyncadd.s32 @!p2 $0xFFFFEC00;
	s6 =	sadd.s32 @!p1 $0x4F00, s7  }
0x5c: {  	[tilespmem:s6], [sflag:s5] =	stream.indirect.gather @!p1 [hbm4b:s1+s8], $0x80, s24, s8, $0xb8;
	[tilespmem:$0x1FF80] =	vst v63  }
0x5d: {  	_ =	swait.ge [sflag:s29], $0x1400  }
0x5e: {  	[sflag:s29] =	ssyncset.done $0x0  }
0x5f: {  	[sflag:s29] =	ssyncadd.s32 $0xFFFFEC00  }
0x60: {  	_ =	swait.ge [sflag:s30], $0x1400  }
0x61: {  	[sflag:s30] =	ssyncset.done $0x0  }
0x62: {  	[sflag:s30] =	ssyncadd.s32 $0xFFFFEC00  }
0x63: {  	_ =	swait.ge [sflag:s31], $0x1400  }
0x64: {  	[sflag:s31] =	ssyncset.done $0x0  }
0x65: {  	[sflag:s31] =	ssyncadd.s32 $0xFFFFEC00  }
0x66: {  	_ =	swait.ge [sflag:s2], $0x1400  }
0x67: {  	[sflag:s2] =	ssyncset.done $0x0  }
0x68: {  	[sflag:s2] =	ssyncadd.s32 $0xFFFFEC00  }
0x69: {  	_ =	swait.ge [sflag:s0], $0x1400  }
0x6a: {  	[sflag:s0] =	ssyncset.done $0x0  }
0x6b: {  	[sflag:s0] =	ssyncadd.s32 $0xFFFFEC00  }
0x6c: {  	_ =	swait.ge [sflag:s21], $0x1400  }
0x6d: {  	[sflag:s21] =	ssyncset.done $0x0  }
0x6e: {  	[sflag:s21] =	ssyncadd.s32 $0xFFFFEC00  }
0x6f: {  	[bflag:$0x0] =	sbarrier.arrive $0xFFFF  }
0x70: {  	s5 =	simm.s32 @p0 $0x1FD0;
	s6 =	rddreg [dreg:$0x9]  }
0x71: {  	[hbm:s6], [sflag:s5] =	dma.local @p0 [spmem:s15], $0x2080  }
0x72: {  	s5 =	simm.s32 @p0 $0x10  }
0x73: {  	_ =	swait.ge @p0 [sflag:s5], $0x2080  }
0x74: {  	[sflag:s5] =	ssyncset.done @p0 $0x0  }
0x75: {  	s6 =	rddreg [dreg:$0x8];
	[sflag:s5] =	ssyncadd.s32 @p0 $0xFFFFDF80;
	s5 =	sor.u32 @!p0 $0x1C10, s16  }
0x76: {  	[hbm:s6], [sflag:s5] =	dma.local @!p0 [spmem:s18], $0x2780  }
0x77: {  	s5 =	simm.s32 @!p0 $0x10  }
0x78: {  	_ =	swait.ge @!p0 [sflag:s5], $0x2780  }
0x79: {  	s22 =	sadd.s32 $0x1, s22;
	s26 =	rddreg [dreg:$0xa]  }
0x7a: {  	p1 =	sne.s32 s22, s26  }
.Ltmp1:
0x7b: {  	_ = 	snop;
	(pc) =	sbr.rel @p1 .LBB2_1-.Ltmp1, $3  }
0x7c: {  	_ =	sdelay $0x1  }
0x7d: {  	[sflag:s5] =	ssyncset.done @!p0 $0x0  }
0x7e: {  	[sflag:s5] =	ssyncadd.s32 @!p0 $0xFFFFD880  }
0x7f: {  	_ =	sfence.sel $0x180000  }
0x80: {  	[bflag:$0x0] =	sbarrier.arrive $0xFFFF  }
0x81: {  	_ =	strace $0x90000047  }
0x82: {  	s0 =	stileid.u32;
	[bflag:$0x2] =	sbarrier.arrive $0xFFFF  }
0x83: {  	p0 =	sne.s32 s0, $0x0;
	s0 =	rddreg [dreg:$0x3]  }
0x84: {  	s0 =	sadd.s32 @!p0 $0x100000, s0  }
0x85: {  	[sflag:s0] =	ssyncadd.tile.s32 @!p0 $0x1;
	_ =	shalt  }
.Lfunc_end2:
_tile_overlayer_lowered:
.L_overlay_start_2:
0x86: {  	(tag) =	ssettag $0x2  }
0x87: {  	s0 =	rddreg [dreg:$0x0];
	s2 =	stileid.u32  }
0x88: {  	s1 =	rddreg [dreg:$0x1];
	p0 =	sne.s32 s2, $0x0  }
0x89: {  	s3 =	rddreg [dreg:$0x2];
	[bflag:$0x3] =	sbarrier.arrive $0xFFFF;
	s2 =	simm.s32 @!p0 $0x1C10  }
0x8a: {  	[timem:s3], [sflag:s2] =	dma.local @!p0 [hbm:s0], s1  }
0x8b: {  	s0 =	simm.s32 @!p0 $0x10  }
0x8c: {  	_ =	swait.ge @!p0 [sflag:s0], s1  }
0x8d: {  	s1 =	ssub.s32 @!p0 $0x0, s1;
	[sflag:s0] =	ssyncset.done @!p0 $0x0  }
0x8e: {  	[sflag:s0] =	ssyncadd.s32 @!p0 s1  }
0x8f: {  	[bflag:$0x3] =	sbarrier.arrive $0xFFFF  }
0x90: {  	_ =	shalt  }

// kernel: kernel.9.cloned.1.call-start
scs
__scs_entry_jumppad:
0x0: {  	(pc) =	sbr.rel $0x88, $3  }
0x1: {  	(tag) =	ssettag $0x0;
	lr =	simm.s32 $0x1  }
0x2: {  	[smem:$0x3F9A] =	sst lr;
	_ =	strace $0xD0000000  }
0x3: {  	_ = 	snop  }
0x4: {  	_ = 	snop  }
0x5: {  	_ = 	snop  }
0x6: {  	_ = 	snop  }
0x7: {  	_ = 	snop  }
__scs_overlays_trampoline_lowered:
0x8: {  	[smem:$0x3FA9] =	sst s0  }
0x9: {  	[smem:$0x3FAA] =	sst s1  }
0xa: {  	[smem:$0x3FAB] =	sst s2  }
0xb: {  	[smem:$0x3FAC] =	sst s3  }
0xc: {  	[smem:$0x3FAD] =	sst s4  }
0xd: {  	[smem:$0x3FAE] =	sst s5  }
0xe: {  	[smem:$0x3FAF] =	sst s6  }
0xf: {  	[smem:$0x3FB0] =	sst s7  }
0x10: {  	[smem:$0x3FB1] =	sst s8  }
0x11: {  	[smem:$0x3FB2] =	sst s9;
	s0 =	simm.s32 @!p0 $0x0  }
0x12: {  	s1 =	sld [smem:$0x3F98];
	s0 =	simm.s32 @p0 $0x1  }
0x13: {  	[smem:$0x3FB3] =	sst s0;
	s0 =	simm.s32 @!p1 $0x0  }
0x14: {  	s2 =	sld [smem:$0x3F97];
	s0 =	simm.s32 @p1 $0x1  }
0x15: {  	[smem:$0x3FB4] =	sst s0;
	s0 =	simm.s32 @!p2 $0x0  }
0x16: {  	s3 =	sld [smem:$0x3FDB];
	s0 =	simm.s32 @p2 $0x1  }
0x17: {  	s4 =	simm.s32 $0x1BF5;
	[smem:$0x3FB6] =	sst s0  }
0x18: {  	s0 =	sld [smem:$0x3F99];
	_ =	swait.ge [sflag:s4], $0x0  }
0x19: {  	s7 =	sld [smem:$0x3F9A]  }
0x1a: {  	s8 =	sadd.s32 $0xFFFFE003, lr  }
0x1b: {  	s9 =	sadd.s32 $0xFFFFFEF7, lr;
	s5 =	simm.s32 $0xFFFFFFFF;
	p2 =	slt.u32 s8, $0xFFFFF086  }
0x1c: {  	p1 =	slt.u32 s9, $0xF7A;
	s5 =	simm.s32 @!p2 $0x0  }
0x1d: {  	s5 =	simm.s32 @p1 $0x1;
	p0 =	seq.s32 s7, s2  }
0x1e: {  	s7 =	smul.u32 @!p0 $0xF7A, s2;
	p2 =	seq.s32 @!p0 s5, $0x0  }
0x1f: {  	s9 =	smul.u32 $0xF7A, s1;
	s8 =	simm.s32 @!p0 $0x1BF5;
	p2 =	por !p2, p0  }
0x20: {  	[sflag:s8] =	ssyncset.s32 @!p0 $0xFFFFF086;
	s6 =	sadd.s32 @!p0 s3, s7;
	s7 =	simm.s32 @!p0 $0x108  }
0x21: {  	s3 =	sadd.s32 s3, s9;
	s6 =	sadd.s32 @!p0 $0x88, s6;
	s7 =	simm.s32 @p2 $0x1082  }
0x22: {  	[simem:s7], [sflag:s8] =	dma.local @!p0 [hbm:s6], $0xF7A  }
0x23: {  	s9 =	sor.u32 $0xD0000000, s2;
	s6 =	simm.s32 $0x108;
	_ =	swait.ge @!p0 [sflag:s8], $0x0  }
0x24: {  	s3 =	sadd.s32 $0x88, s3;
	s6 =	simm.s32 @!p1 $0x1082;
	[sflag:s4] =	ssyncset.s32 $0xFFFFF086  }
0x25: {  	[simem:s6], [sflag:s4] =	dma.local [hbm:s3], $0xF7A  }
0x26: {  	[smem:$0x3F9A] =	sst s1;
	(tag) =	ssettag s2;
	_ =	strace s9  }
0x27: {  	s1 =	sld [smem:$0x3FAA]  }
0x28: {  	s2 =	sld [smem:$0x3FAB]  }
0x29: {  	s4 =	sld [smem:$0x3FAD]  }
0x2a: {  	p0 =	seq.s32 s5, $0x0;
	s5 =	sld [smem:$0x3FAE]  }
0x2b: {  	s6 =	sld [smem:$0x3FAF]  }
0x2c: {  	s7 =	sld [smem:$0x3FB0]  }
0x2d: {  	s3 =	simm.s32 $0x108;
	s8 =	sld [smem:$0x3FB1]  }
0x2e: {  	s3 =	simm.s32 @!p0 $0x1082;
	s9 =	sld [smem:$0x3FB2]  }
0x2f: {  	lr =	sadd.s32 s0, s3;
	s0 =	sld [smem:$0x3FA9]  }
0x30: {  	s3 =	sld [smem:$0x3FAC]  }
0x31: {  	[smem:$0x3FB5] =	sst s10  }
0x32: {  	s10 =	sld [smem:$0x3FB3];
	_ =	sdelay $0x3  }
0x33: {  	p0 =	seq.s32 s10, $0x1;
	s10 =	sld [smem:$0x3FB5];
	_ =	sdelay $0x3  }
0x34: {  	[smem:$0x3FB5] =	sst s10  }
0x35: {  	s10 =	sld [smem:$0x3FB4];
	_ =	sdelay $0x3  }
0x36: {  	p1 =	seq.s32 s10, $0x1;
	s10 =	sld [smem:$0x3FB5];
	_ =	sdelay $0x3  }
0x37: {  	[smem:$0x3FB5] =	sst s10  }
0x38: {  	s10 =	sld [smem:$0x3FB6]  }
0x39: {  	_ = 	snop;
	(pc) =	sbr.ind lr, $3  }
0x3a: {  	_ = 	snop  }
0x3b: {  	_ = 	snop  }
0x3c: {  	p2 =	seq.s32 s10, $0x1;
	s10 =	sld [smem:$0x3FB5]  }
0x3d: {  	_ =	shalt  }
0x3e: {  	_ =	shalt  }
0x3f: {  	_ =	shalt  }
0x40: {  	_ =	shalt  }
0x41: {  	_ =	shalt  }
0x42: {  	_ =	shalt  }
0x43: {  	_ =	shalt  }
0x44: {  	_ =	shalt  }
0x45: {  	_ =	shalt  }
0x46: {  	_ =	shalt  }
0x47: {  	_ =	shalt  }
0x48: {  	_ =	shalt  }
0x49: {  	_ =	shalt  }
0x4a: {  	_ =	shalt  }
0x4b: {  	_ =	shalt  }
0x4c: {  	_ =	shalt  }
0x4d: {  	_ =	shalt  }
0x4e: {  	_ =	shalt  }
0x4f: {  	_ =	shalt  }
0x50: {  	_ =	shalt  }
0x51: {  	_ =	shalt  }
0x52: {  	_ =	shalt  }
0x53: {  	_ =	shalt  }
0x54: {  	_ =	shalt  }
0x55: {  	_ =	shalt  }
0x56: {  	_ =	shalt  }
0x57: {  	_ =	shalt  }
0x58: {  	_ =	shalt  }
0x59: {  	_ =	shalt  }
0x5a: {  	_ =	shalt  }
0x5b: {  	_ =	shalt  }
0x5c: {  	_ =	shalt  }
0x5d: {  	_ =	shalt  }
0x5e: {  	_ =	shalt  }
0x5f: {  	_ =	shalt  }
0x60: {  	_ =	shalt  }
0x61: {  	_ =	shalt  }
0x62: {  	_ =	shalt  }
0x63: {  	_ =	shalt  }
0x64: {  	_ =	shalt  }
0x65: {  	_ =	shalt  }
0x66: {  	_ =	shalt  }
0x67: {  	_ =	shalt  }
0x68: {  	_ =	shalt  }
0x69: {  	_ =	shalt  }
0x6a: {  	_ =	shalt  }
0x6b: {  	_ =	shalt  }
0x6c: {  	_ =	shalt  }
0x6d: {  	_ =	shalt  }
0x6e: {  	_ =	shalt  }
0x6f: {  	_ =	shalt  }
0x70: {  	_ =	shalt  }
0x71: {  	_ =	shalt  }
0x72: {  	_ =	shalt  }
0x73: {  	_ =	shalt  }
0x74: {  	_ =	shalt  }
0x75: {  	_ =	shalt  }
0x76: {  	_ =	shalt  }
0x77: {  	_ =	shalt  }
0x78: {  	_ =	shalt  }
0x79: {  	_ =	shalt  }
0x7a: {  	_ =	shalt  }
0x7b: {  	_ =	shalt  }
0x7c: {  	_ =	shalt  }
0x7d: {  	_ =	shalt  }
0x7e: {  	_ =	shalt  }
0x7f: {  	_ =	shalt  }
0x80: {  	_ =	shalt  }
0x81: {  	_ =	shalt  }
0x82: {  	_ =	shalt  }
0x83: {  	_ =	shalt  }
0x84: {  	_ =	shalt  }
0x85: {  	_ =	shalt  }
0x86: {  	_ =	shalt  }
0x87: {  	_ =	shalt  }
.Lfunc_end0:
.L_simem_size_0:
called_computation.1_lowered:
.L_overlay_start_0:
0x88: {  	s2 =	sld [smem:$0x3FD9]  }
0x89: {  	s3 =	sld [smem:$0x3FFE];
	_ =	sdelay $0x1  }
0x8a: {  	s1 =	srdreg.scid  }
0x8b: {  	s0 =	sand.u32 $0x1, s1  }
0x8c: {  	s16 =	sshll.u32 s0, $0xA;
	s2 =	sadd.s32 s3, s2  }
0x8d: {  	s2 =	sadd.s32 s2, s16  }
0x8e: {  	[smem:$0x3FC1] =	sst s2  }
0x8f: {  	_ = 	snop  }
0x90: {  	(tm) =	ssettm $0x1  }
0x91: {  	s17 =	sld [smem:$0x3FFB];
	_ =	sdelay $0x3  }
0x92: {  	_ =	strace s17  }
0x93: {  	s2 =	sld [smem:$0x3FFC];
	_ =	sdelay $0x3  }
0x94: {  	_ =	strace s2  }
0x95: {  	s2 =	sld [smem:$0x3FFD];
	_ =	sdelay $0x3  }
0x96: {  	_ =	strace s2  }
0x97: {  	_ =	strace $0x8FFFFFFF  }
0x98: {  	s18 =	sld [smem:$0x3FDB];
	_ =	sdelay $0x1  }
0x99: {  	s19 =	simm.s32 $_scs_section_size  }
0x9a: {  	s4 =	simm.s32 $_size__tile_overlayer_lowered;
	s5 =	simm.s32 $_tile_overlayer_lowered  }
0x9b: {  	s22 =	simm.s32 $0x1BFF;
	s21 =	sshll.u32 s5, $0x1;
	s2 =	sadd.s32 s19, s18  }
0x9c: {  	s6 =	simm.s32 $0x0;
	s20 =	sshll.u32 s4, $0x1;
	s4 =	sadd.s32 s21, s2  }
0x9d: {  	[timem:s6], [sflag:s22] =	dma.local [hbm:s4], s20  }
0x9e: {  	_ =	swait.ge [sflag:s22], s20  }
0x9f: {  	s3 =	ssub.s32 $0x0, s20;
	[sflag:s22] =	ssyncset.done $0x0  }
0xa0: {  	[sflag:s22] =	ssyncadd.s32 s3;
	_ =	sdelay $0x1  }
0xa1: {  	s23 =	simm.s32 $0x1B8B  }
0xa2: {  	_ =	swait.ge [sflag:s23], $0x1  }
0xa3: {  	[sflag:s23] =	ssyncset.done $0x0  }
0xa4: {  	s25 =	simm.s32 $0x1B8E;
	s24 =	sld [smem:$0x3FFE];
	[sflag:s23] =	ssyncadd.s32 $0xFFFFFFFF  }
0xa5: {  	s26 =	simm.s32 $execute0_lowered;
	[smem:$0x3FD2] =	sst s25  }
0xa6: {  	s4 =	sshll.u32 s26, $0x1;
	_ =	strace $0x80000049;
	[dreg:$0x1] =	wrdreg $0xFFFFFFFF  }
0xa7: {  	s28 =	simm.s32 $_size_execute0_lowered;
	s2 =	sadd.s32 s2, s4;
	[dreg:$0x0] =	wrdreg $0x0  }
0xa8: {  	s4 =	sshll.u32 s28, $0x1;
	[dreg:$0x2] =	wrdreg s2  }
0xa9: {  	[dreg:$0x3] =	wrdreg s4  }
0xaa: {  	[dreg:$0x4] =	wrdreg $0xC0  }
0xab: {  	_ =	task [dreg:s6], $0x5FFFF  }
0xac: {  	[dreg:$0x1] =	wrdreg $0xFFFFFFFF  }
0xad: {  	[dreg:$0x0] =	wrdreg $0x60  }
0xae: {  	[dreg:$0x2] =	wrdreg s24  }
0xaf: {  	[dreg:$0x3] =	wrdreg $0xC7000  }
0xb0: {  	[dreg:$0x4] =	wrdreg $0x9  }
0xb1: {  	_ =	task.clear_ibuf [dreg:s6], $0x5FFFF;
	_ =	strace $0x90000049  }
0xb2: {  	s29 =	simm.s32 $0x9;
	_ =	strace $0x8000004B  }
0xb3: {  	_ =	swait.ge [sflag:s29], $0x1  }
0xb4: {  	[sflag:s29] =	ssyncadd.s32 $0xFFFFFFFF  }
0xb5: {  	_ =	strace $0x9000004B  }
0xb6: {  	_ =	sfence  }
0xb7: {  	s30 =	sld [smem:$0x0];
	_ =	sdelay $0x2  }
0xb8: {  	s31 =	sshll.u32 s1, $0xD;
	s1 =	sshrl.u32 s1, $0x2  }
0xb9: {  	s3 =	sand.u32 $0x4000, s31;
	s1 =	sadd.s32 s1, s30  }
0xba: {  	s0 =	sor.u32 s3, s0;
	s1 =	sshll.u32 s1, $0x11  }
0xbb: {  	s0 =	sor.u32 s1, s0  }
0xbc: {  	s0 =	sadd.s32 $0x8F2B, s0  }
0xbd: {  	[sflag:s0] =	ssyncadd.remote.s32 $0x1  }
0xbe: {  	_ =	sfence.sel $0xFFFF  }
0xbf: {  	[dreg:$0x0] =	wrdreg $0xFFFFFFFF;
	(pc) =	sbr.abs _section_cstart, $3  }
0xc0: {  	[dreg:$0x1] =	wrdreg $0xFFFFFFFF  }
0xc1: {  	_ =	task.clear_ibuf [dreg:s6], $0x2FFFF;
	_ =	strace $0x9FFFFFFF  }
0xc2: {  	(tm) =	ssettm $0x7FFFFFFF  }
0xc3: {  	_ =	shalt  }
tec
execute0_lowered:
.L_overlay_start_1:
0x0: {  	(tag) =	ssettag $0x1  }
0x1: {  	s0 =	rddreg [dreg:$0x0]  }
0x2: {  	s1 =	rddreg [dreg:$0x1];
	s2 =	srdreg.scid  }
0x3: {  	s11 =	stileid.u32;
	s28 =	simm.s32 $0xE;
	s29 =	simm.s32 $0xB  }
0x4: {  	s30 =	simm.s32 $0xC;
	s31 =	simm.s32 $0x7;
	s19 =	smul.u32 $0x2780, s11  }
0x5: {  	s2 =	sand.u32 $0x1, s2;
	s3 =	sshrl.u32 s11, $0x2;
	s9 =	smul.u32 $0x4F000, s11  }
0x6: {  	s4 =	sshll.u32 s11, $0x8;
	s10 =	sadd.s32 $0x63000, s0;
	s22 =	smul.u32 $0x13C00, s11  }
0x7: {  	p0 =	seq.s32 s11, $0xF;
	s5 =	smul.u32 $0x13C00, s3;
	s6 =	sshll.u32 s2, $0x7  }
0x8: {  	s4 =	sand.u32 $0x300, s4;
	s3 =	simm.s32 $0x0;
	s7 =	ssub.s32 $0x2, s2  }
0x9: {  	s2 =	smul.u32 $0x138800, s2;
	s16 =	sshll.u32 @!p0 s11, $0x6;
	s4 =	sor.u32 s6, s4  }
0xa: {  	[smem:$0x7FF] =	sst s3;
	s6 =	sadd.s32 s19, s0;
	s8 =	sshrl.u32 s7, $0x1  }
0xb: {  	s21 =	sshrl.u32 s9, $0x2;
	s17 =	sor.u32 @!p0 $0x1C0F, s16;
	s19 =	simm.s32 $0xD  }
0xc: {  	s4 =	sor.u32 s5, s4;
	_ =	strace $0x8000004A;
	s7 =	ssub.s32 s7, s8  }
0xd: {  	s6 =	sadd.s32 $0x14C00, s6;
	s23 =	sadd.s32 s22, s2;
	s2 =	sshrl.u32 s2, $0x3  }
0xe: {  	s22 =	simm.s32 $0x0;
	s5 =	sshrl.u32 s4, $0x3;
	s4 =	sadd.s32 $0x3BE00, s0  }
0xf: {  	[dreg:$0x5] =	wrdreg s6;
	s2 =	sadd.s32 s10, s2;
	s26 =	smax.u32 s7, $0x1  }
0x10: {  	s5 =	sadd.s32 s5, s0;
	s0 =	sadd.s32 $0x39C80, s0;
	[dreg:$0x9] =	wrdreg s26  }
0x11: {  	s6 =	sadd.s32 $0x128400, s1;
	s25 =	sadd.s32 $0x25080, s2;
	[dreg:$0x6] =	wrdreg s0  }
0x12: {  	s24 =	sshrl.u32 s23, $0x3;
	s20 =	sadd.s32 $0x1000, s5;
	[dreg:$0x8] =	wrdreg s25  }
0x13: {  	s15 =	sshrl.u32 @p0 s6, $0x3;
	s5 =	sadd.s32 $0xAE00, s5;
	[dreg:$0x3] =	wrdreg s20  }
0x14: {  	s2 =	simm.s32 $0x8;
	s0 =	sadd.s32 s10, s24;
	[dreg:$0x4] =	wrdreg s5  }
0x15: {  	s5 =	sadd.s32 s21, s1;
	[dreg:$0x7] =	wrdreg s0;
	s20 =	simm.s32 $0x28  }
0x16: {  	s0 =	simm.s32 $0x9;
	s21 =	simm.s32 $0xA;
	s18 =	sshrl.u32 @!p0 s5, $0x3  }
.LBB2_1:
0x17: {  	s5 =	rddreg [dreg:$0x3];
	s6 =	simm.s32 $0x80;
	s7 =	simm.s32 $0x400  }
0x18: {  	[tilespmem:s3], [sflag:$0xD] =	stream.strided.gather [hbm4b:s5+s6], $0x2780, s7, s6, $0x38;
	[tilespmem:$0x1FF80] =	vst v63  }
0x19: {  	s26 =	rddreg [dreg:$0x4];
	s10 =	simm.s32 $0x2780  }
0x1a: {  	[tilespmem:s10], [sflag:$0xE] =	stream.strided.gather [hbm4b:s26+s6], $0x2780, s7, s6, $0x38;
	[tilespmem:$0x1FF80] =	vst v63  }
0x1b: {  	s5 =	simm.s32 @p0 $0x1FCF;
	s6 =	rddreg [dreg:$0x6]  }
0x1c: {  	[spmem:s15], [sflag:s5] =	dma.local @p0 [hbm:s6], $0x2080  }
0x1d: {  	s5 =	rddreg [dreg:$0x5]  }
0x1e: {  	[spmem:s18], [sflag:s17] =	dma.local @!p0 [hbm:s5], $0x2780  }
0x1f: {  	_ =	swait.ge [sflag:s19], $0x2780  }
0x20: {  	[sflag:s19] =	ssyncset.done $0x0  }
0x21: {  	s7 =	simm.s32 $0x4F00;
	[sflag:s19] =	ssyncadd.s32 $0xFFFFD880  }
0x22: {  	[tilespmem:s7], [sflag:$0x1] =	stream.indirect.gather [hbm4b:s4+s20], $0x80, s3, s20, $0xb8;
	[tilespmem:$0x1FF80] =	vst v63  }
0x23: {  	s8 =	simm.s32 $0x6300  }
0x24: {  	[tilespmem:s8], [sflag:$0x2] =	stream.indirect.gather [hbm4b:s4+s20], $0x80, s20, s20, $0xb8;
	[tilespmem:$0x1FF80] =	vst v63  }
0x25: {  	s9 =	simm.s32 $0x50;
	s11 =	simm.s32 $0x7700  }
0x26: {  	[tilespmem:s11], [sflag:$0x3] =	stream.indirect.gather [hbm4b:s4+s20], $0x80, s9, s20, $0xb8;
	[tilespmem:$0x1FF80] =	vst v63  }
0x27: {  	s12 =	simm.s32 $0x78;
	s13 =	simm.s32 $0x8B00  }
0x28: {  	[tilespmem:s13], [sflag:$0x4] =	stream.indirect.gather [hbm4b:s4+s20], $0x80, s12, s20, $0xb8;
	[tilespmem:$0x1FF80] =	vst v63  }
0x29: {  	s14 =	smul.u32 $0xAB, s3;
	_ =	swait.ge [sflag:s28], $0x2780  }
0x2a: {  	s23 =	simm.s32 $0x4;
	[sflag:s28] =	ssyncset.done $0x0  }
0x2b: {  	s6 =	sshrl.u32 s14, $0xA;
	s5 =	simm.s32 @p0 $0xF;
	[sflag:s28] =	ssyncadd.s32 $0xFFFFD880  }
0x2c: {  	p1 =	por $0x0, $0x0;
	s6 =	sand.u32 $0x3F, s6;
	_ =	swait.ge @p0 [sflag:s5], $0x2080  }
0x2d: {  	s25 =	simm.s32 $0x27A8;
	s6 =	smul.u32 $0x6, s6;
	[sflag:s5] =	ssyncset.done @p0 $0x0  }
0x2e: {  	p2 =	por @!p1 $0x1, $0x1;
	[sflag:s5] =	ssyncadd.s32 @p0 $0xFFFFDF80;
	s5 =	simm.s32 @!p0 $0xF  }
0x2f: {  	p2 =	por p2, p1;
	s8 =	ssub.s32 $0x0, s6;
	_ =	swait.ge @!p0 [sflag:s5], $0x2780  }
0x30: {  	s26 =	simm.s32 $0xA0;
	s8 =	sand.u32 $0xFF, s8;
	[sflag:s5] =	ssyncset.done @!p0 $0x0  }
0x31: {  	s9 =	smul.u32 $0x5000, s8;
	[sflag:s5] =	ssyncadd.s32 @!p0 $0xFFFFD880;
	s5 =	sand.u32 $0xFF, s23  }
0x32: {  	s12 =	sadd.s32 $0x1, s8;
	[bflag:$0x0] =	sbarrier.arrive $0xFFFF;
	s5 =	smul.u32 $0xAB, s5  }
0x33: {  	s9 =	sshrl.u32 s9, $0x2;
	s8 =	sadd.s32 $0x7, s8;
	_ =	swait.ge [sflag:s12], $0x1400  }
0x34: {  	s9 =	sadd.s32 $0x4F00, s9;
	s5 =	sshrl.u32 s5, $0xA;
	[sflag:s12] =	ssyncset.done $0x0  }
0x35: {  	s23 =	simm.s32 $0x1;
	s5 =	smul.u32 $0x6, s5;
	[sflag:s12] =	ssyncadd.s32 $0xFFFFEC00  }
0x36: {  	[spmem:s1] =	stream.indirect.scatter.add.f32 [tilespmem:s9], [sflag:s8], $0x80, s10, s20, $0xb8;
	[tilespmem:$0x1FF80] =	vst v63  }
0x37: {  	s6 =	simm.s32 $0x2;
	s7 =	smul.u32 $0xAB, s23;
	s24 =	ssub.s32 $0x4, s5  }
0x38: {  	s5 =	simm.s32 $0x5;
	s8 =	sand.u32 $0xFF, s24;
	s24 =	simm.s32 $0xC8  }
0x39: {  	s9 =	sadd.s32 @!p2 $0x7, s8;
	s12 =	smul.u32 @!p1 $0x5000, s8;
	s8 =	sadd.s32 @!p1 $0x1, s8  }
.LBB2_2:
0x3a: {  	s10 =	sshrl.u32 s7, $0xA;
	_ =	swait.ge @!p2 [sflag:s9], $0x1400;
	s13 =	simm.s32 @!p1 $0x28  }
0x3b: {  	s11 =	smov.u32 s23;
	s23 =	smov.u32 s6;
	s14 =	smov.u32 s25  }
0x3c: {  	s7 =	smul.u32 $0xAB, s6;
	[sflag:s9] =	ssyncset.done @!p2 $0x0;
	s12 =	sshrl.u32 @!p1 s12, $0x2  }
0x3d: {  	s10 =	sand.u32 $0x3F, s10;
	[sflag:s9] =	ssyncadd.s32 @!p2 $0xFFFFEC00;
	s9 =	sadd.s32 @!p1 $0x4F00, s12  }
0x3e: {  	[tilespmem:s9], [sflag:s8] =	stream.indirect.gather @!p1 [hbm4b:s4+s13], $0x80, s26, s13, $0xb8;
	[tilespmem:$0x1FF80] =	vst v63  }
0x3f: {  	s6 =	sadd.s32 $0x1, s6;
	s8 =	smul.u32 $0x6, s10;
	s9 =	sand.u32 $0xFF, s5  }
0x40: {  	p3 =	sne.s32 s6, $0xFA;
	s26 =	smov.u32 s24;
	s9 =	smul.u32 $0xAB, s9  }
0x41: {  	s8 =	ssub.s32 s11, s8  }
0x42: {  	s8 =	sand.u32 $0xFF, s8;
	s9 =	sshrl.u32 s9, $0xA  }
0x43: {  	p1 =	sgt.u32 s11, $0xF5;
	s10 =	smul.u32 $0x5000, s8;
	s12 =	sadd.s32 $0x1, s8  }
0x44: {  	p2 =	slt.u32 @!p1 s11, $0x2;
	s9 =	smul.u32 $0x6, s9;
	_ =	swait.ge [sflag:s12], $0x1400  }
0x45: {  	p2 =	por p2, p1;
	s10 =	sshrl.u32 s10, $0x2;
	[sflag:s12] =	ssyncset.done $0x0  }
.Ltmp0:
0x46: {  	s10 =	sadd.s32 $0x4F00, s10;
	[sflag:s12] =	ssyncadd.s32 $0xFFFFEC00;
	(pc) =	sbr.rel @p3 .LBB2_2-.Ltmp0, $4  }
0x47: {  	s25 =	sadd.s32 $0x28, s25;
	s8 =	sadd.s32 $0x7, s8;
	s9 =	ssub.s32 s5, s9  }
0x48: {  	[spmem:s1] =	stream.indirect.scatter.add.f32 [tilespmem:s10], [sflag:s8], $0x80, s14, s20, $0xb8;
	[tilespmem:$0x1FF80] =	vst v63  }
0x49: {  	s24 =	sadd.s32 $0x28, s24;
	s5 =	sadd.s32 $0x4, s23;
	s8 =	sand.u32 $0xFF, s9  }
0x4a: {  	s9 =	sadd.s32 @!p2 $0x7, s8;
	s12 =	smul.u32 @!p1 $0x5000, s8;
	s8 =	sadd.s32 @!p1 $0x1, s8  }
0x4b: {  	_ =	swait.ge @!p2 [sflag:s9], $0x1400  }
0x4c: {  	s6 =	sshrl.u32 s7, $0xA;
	s7 =	simm.s32 @!p1 $0x28;
	[sflag:s9] =	ssyncset.done @!p2 $0x0  }
0x4d: {  	s10 =	sshrl.u32 @!p1 s12, $0x2;
	s6 =	sand.u32 $0x3F, s6;
	s12 =	sand.u32 $0xFF, s5  }
0x4e: {  	[sflag:s9] =	ssyncadd.s32 @!p2 $0xFFFFEC00;
	s9 =	sadd.s32 @!p1 $0x4F00, s10;
	s6 =	smul.u32 $0x6, s6  }
0x4f: {  	[tilespmem:s9], [sflag:s8] =	stream.indirect.gather @!p1 [hbm4b:s4+s7], $0x80, s26, s7, $0xb8;
	[tilespmem:$0x1FF80] =	vst v63  }
0x50: {  	s7 =	smul.u32 $0xAB, s12;
	s6 =	ssub.s32 s23, s6  }
0x51: {  	s6 =	sand.u32 $0xFF, s6  }
0x52: {  	p1 =	sgt.u32 s23, $0xF5;
	s7 =	sshrl.u32 s7, $0xA;
	s13 =	smul.u32 $0x5000, s6  }
0x53: {  	p2 =	slt.u32 @!p1 s23, $0x2;
	s14 =	sadd.s32 $0x1, s6;
	s7 =	smul.u32 $0x6, s7  }
0x54: {  	p2 =	por p2, p1;
	s6 =	sadd.s32 $0x7, s6;
	_ =	swait.ge [sflag:s14], $0x1400  }
0x55: {  	s8 =	sshrl.u32 s13, $0x2;
	[sflag:s14] =	ssyncset.done $0x0;
	s23 =	ssub.s32 s5, s7  }
0x56: {  	s8 =	sadd.s32 $0x4F00, s8;
	[sflag:s14] =	ssyncadd.s32 $0xFFFFEC00;
	s5 =	sand.u32 $0xFF, s23  }
0x57: {  	[spmem:s1] =	stream.indirect.scatter.add.f32 [tilespmem:s8], [sflag:s6], $0x80, s25, s20, $0xb8;
	[tilespmem:$0x1FF80] =	vst v63  }
0x58: {  	s6 =	sadd.s32 @!p2 $0x7, s5;
	s7 =	smul.u32 @!p1 $0x5000, s5  }
0x59: {  	_ =	swait.ge @!p2 [sflag:s6], $0x1400  }
0x5a: {  	s5 =	sadd.s32 @!p1 $0x1, s5;
	[sflag:s6] =	ssyncset.done @!p2 $0x0;
	s7 =	sshrl.u32 @!p1 s7, $0x2  }
0x5b: {  	s8 =	simm.s32 @!p1 $0x28;
	[sflag:s6] =	ssyncadd.s32 @!p2 $0xFFFFEC00;
	s6 =	sadd.s32 @!p1 $0x4F00, s7  }
0x5c: {  	[tilespmem:s6], [sflag:s5] =	stream.indirect.gather @!p1 [hbm4b:s4+s8], $0x80, s24, s8, $0xb8;
	[tilespmem:$0x1FF80] =	vst v63  }
0x5d: {  	_ =	swait.ge [sflag:s29], $0x1400  }
0x5e: {  	[sflag:s29] =	ssyncset.done $0x0  }
0x5f: {  	[sflag:s29] =	ssyncadd.s32 $0xFFFFEC00  }
0x60: {  	_ =	swait.ge [sflag:s30], $0x1400  }
0x61: {  	[sflag:s30] =	ssyncset.done $0x0  }
0x62: {  	[sflag:s30] =	ssyncadd.s32 $0xFFFFEC00  }
0x63: {  	_ =	swait.ge [sflag:s31], $0x1400  }
0x64: {  	[sflag:s31] =	ssyncset.done $0x0  }
0x65: {  	[sflag:s31] =	ssyncadd.s32 $0xFFFFEC00  }
0x66: {  	_ =	swait.ge [sflag:s2], $0x1400  }
0x67: {  	[sflag:s2] =	ssyncset.done $0x0  }
0x68: {  	[sflag:s2] =	ssyncadd.s32 $0xFFFFEC00  }
0x69: {  	_ =	swait.ge [sflag:s0], $0x1400  }
0x6a: {  	[sflag:s0] =	ssyncset.done $0x0  }
0x6b: {  	[sflag:s0] =	ssyncadd.s32 $0xFFFFEC00  }
0x6c: {  	_ =	swait.ge [sflag:s21], $0x1400  }
0x6d: {  	[sflag:s21] =	ssyncset.done $0x0  }
0x6e: {  	[sflag:s21] =	ssyncadd.s32 $0xFFFFEC00  }
0x6f: {  	[bflag:$0x0] =	sbarrier.arrive $0xFFFF  }
0x70: {  	s5 =	simm.s32 @p0 $0x1FD0;
	s6 =	rddreg [dreg:$0x8]  }
0x71: {  	[hbm:s6], [sflag:s5] =	dma.local @p0 [spmem:s15], $0x2080  }
0x72: {  	s5 =	simm.s32 @p0 $0x10  }
0x73: {  	_ =	swait.ge @p0 [sflag:s5], $0x2080  }
0x74: {  	[sflag:s5] =	ssyncset.done @p0 $0x0  }
0x75: {  	s6 =	rddreg [dreg:$0x7];
	[sflag:s5] =	ssyncadd.s32 @p0 $0xFFFFDF80;
	s5 =	sor.u32 @!p0 $0x1C10, s16  }
0x76: {  	[hbm:s6], [sflag:s5] =	dma.local @!p0 [spmem:s18], $0x2780  }
0x77: {  	s5 =	simm.s32 @!p0 $0x10  }
0x78: {  	_ =	swait.ge @!p0 [sflag:s5], $0x2780  }
0x79: {  	s22 =	sadd.s32 $0x1, s22;
	s26 =	rddreg [dreg:$0x9]  }
0x7a: {  	p1 =	sne.s32 s22, s26  }
.Ltmp1:
0x7b: {  	_ = 	snop;
	(pc) =	sbr.rel @p1 .LBB2_1-.Ltmp1, $3  }
0x7c: {  	_ =	sdelay $0x1  }
0x7d: {  	[sflag:s5] =	ssyncset.done @!p0 $0x0  }
0x7e: {  	[sflag:s5] =	ssyncadd.s32 @!p0 $0xFFFFD880  }
0x7f: {  	_ =	sfence.sel $0x180000  }
0x80: {  	[bflag:$0x0] =	sbarrier.arrive $0xFFFF  }
0x81: {  	_ =	strace $0x9000004A  }
0x82: {  	s0 =	stileid.u32;
	[bflag:$0x2] =	sbarrier.arrive $0xFFFF  }
0x83: {  	p0 =	sne.s32 s0, $0x0;
	s0 =	rddreg [dreg:$0x2]  }
0x84: {  	s0 =	sadd.s32 @!p0 $0x100000, s0  }
0x85: {  	[sflag:s0] =	ssyncadd.tile.s32 @!p0 $0x1;
	_ =	shalt  }
.Lfunc_end2:
_tile_overlayer_lowered:
.L_overlay_start_2:
0x86: {  	(tag) =	ssettag $0x2  }
0x87: {  	s0 =	rddreg [dreg:$0x0];
	s2 =	stileid.u32  }
0x88: {  	s1 =	rddreg [dreg:$0x1];
	p0 =	sne.s32 s2, $0x0  }
0x89: {  	s3 =	rddreg [dreg:$0x2];
	[bflag:$0x3] =	sbarrier.arrive $0xFFFF;
	s2 =	simm.s32 @!p0 $0x1C10  }
0x8a: {  	[timem:s3], [sflag:s2] =	dma.local @!p0 [hbm:s0], s1  }
0x8b: {  	s0 =	simm.s32 @!p0 $0x10  }
0x8c: {  	_ =	swait.ge @!p0 [sflag:s0], s1  }
0x8d: {  	s1 =	ssub.s32 @!p0 $0x0, s1;
	[sflag:s0] =	ssyncset.done @!p0 $0x0  }
0x8e: {  	[sflag:s0] =	ssyncadd.s32 @!p0 s1  }
0x8f: {  	[bflag:$0x3] =	sbarrier.arrive $0xFFFF  }
0x90: {  	_ =	shalt  }

</sc_bundles>
